<compile_context>
chip_gen: v7x
topology: tpu7x:2x2x1
jax: 0.10.2.dev20260603
libtpu: 0.0.44.dev20260713+nightly
codegen_flags: <defaults>
</compile_context>

<pallas_src>
import functools

import jax
import jax.numpy as jnp
from jax import lax
from jax.experimental import pallas as pl
from jax.experimental.pallas import tpu as pltpu
from jax.experimental.pallas import tpu_sc as plsc

NS = 8192
NT = 2048
K = 32
NW = 32
TPW = 128
CH = NS // 16
TG = 4
LCAP = 257

_F32MAX = 3.4028235e38


_DNUMS = lax.GatherDimensionNumbers(
    offset_dims=(), collapsed_slice_dims=(0,), start_index_map=(0,))


def _bcast(v, lane):
    idx = jnp.full((16,), lane, jnp.int32)
    return lax.gather(v, idx[:, None], _DNUMS, slice_sizes=(1,),
                      mode=lax.GatherScatterMode.PROMISE_IN_BOUNDS)


def _round_bf16(x):
    u = plsc.bitcast(x, jnp.int32)
    lsb = jnp.bitwise_and(lax.shift_right_logical(u, 16), 1)
    r = jnp.bitwise_and(u + 32767 + lsb, -65536)
    return plsc.bitcast(r, jnp.float32)


def _body(src_o, tgt_o, out_i, out_v,
          sxr, syr, szr, r1, dbuf, candi,
          txr, tyr, tzr, tox, toy, toz, r0, outi_ref, outv_ref):
    wid = lax.axis_index("s") * 2 + lax.axis_index("c")
    b = wid // 16
    toff = (wid % 16) * TPW

    sbase = b * 3 * NS
    pltpu.sync_copy(src_o.at[pl.ds(sbase, NS)], dbuf.at[0])
    pltpu.sync_copy(src_o.at[pl.ds(sbase + NS, NS)], dbuf.at[1])
    pltpu.sync_copy(src_o.at[pl.ds(sbase + 2 * NS, NS)], dbuf.at[2])

    def r1_body(c, _):
        s = pl.ds(c * 16, 16)
        x = dbuf[0, s]
        y = dbuf[1, s]
        z = dbuf[2, s]
        r1[s] = (x * x + y * y) + z * z
        sxr[s] = _round_bf16(x)
        syr[s] = _round_bf16(y)
        szr[s] = _round_bf16(z)
        return 0
    lax.fori_loop(0, CH, r1_body, 0)

    tbase = b * 3 * NT + toff
    pltpu.sync_copy(tgt_o.at[pl.ds(tbase, TPW)], tox)
    pltpu.sync_copy(tgt_o.at[pl.ds(tbase + NT, TPW)], toy)
    pltpu.sync_copy(tgt_o.at[pl.ds(tbase + 2 * NT, TPW)], toz)

    def r0_body(c, _):
        s = pl.ds(c * 16, 16)
        x = tox[s]
        y = toy[s]
        z = toz[s]
        r0[s] = (x * x + y * y) + z * z
        txr[s] = _round_bf16(x) * 2.0
        tyr[s] = _round_bf16(y) * 2.0
        tzr[s] = _round_bf16(z) * 2.0
        return 0
    lax.fori_loop(0, TPW // 16, r0_body, 0)

    iota16 = lax.iota(jnp.int32, 16)
    lanebase = iota16 * LCAP

    def tc_body(tc, _):
        ts = pl.ds(tc * 16, 16)
        tx16 = txr[ts]
        ty16 = tyr[ts]
        tz16 = tzr[ts]
        r016 = r0[ts]

        def gg_body(gg, _):
            lane0 = gg * TG
            txs = [_bcast(tx16, lane0 + j) for j in range(TG)]
            tys = [_bcast(ty16, lane0 + j) for j in range(TG)]
            tzs = [_bcast(tz16, lane0 + j) for j in range(TG)]
            r0s = [_bcast(r016, lane0 + j) for j in range(TG)]

            inf = jnp.full((16,), _F32MAX, jnp.float32)

            def a_body(c, carry=None):
                mins = list(carry)
                s = pl.ds(c * 16, 16)
                sx = sxr[s]
                sy = syr[s]
                sz = szr[s]
                r1c = r1[s]
                for j in range(TG):
                    dot2 = (sx * txs[j] + sy * tys[j]) + sz * tzs[j]
                    d = (r0s[j] - dot2) + r1c
                    dbuf[j, s] = d
                    m1 = mins[2 * j]
                    m2 = mins[2 * j + 1]
                    mins[2 * j] = jnp.minimum(m1, d)
                    mins[2 * j + 1] = jnp.minimum(jnp.maximum(m1, d), m2)
                return tuple(mins)

            mins = plsc.parallel_loop(0, CH, carry=(inf,) * (2 * TG))(a_body)

            cutoffs = []
            for j in range(TG):
                cm = plsc.cummax(mins[2 * j + 1])
                cutoffs.append(_bcast(cm, 15))

            def b_body(c, carry):
                lanecnts = list(carry)
                s = pl.ds(c * 16, 16)
                idxv = jnp.full((16,), c * 16, jnp.int32) + iota16
                dsl = [dbuf[j, s] for j in range(TG)]
                masks = [dsl[j] <= cutoffs[j] for j in range(TG)]
                addrs = [lanebase + j * (16 * LCAP)
                         + jnp.bitwise_and(lanecnts[j], 255)
                         for j in range(TG)]
                news = [lanecnts[j]
                        + jnp.where(masks[j], 1, 0).astype(jnp.int32)
                        for j in range(TG)]
                for j in range(TG):
                    plsc.store_scatter(candi, [addrs[j]], idxv,
                                       mask=masks[j])
                return tuple(news)

            lanecnts = plsc.parallel_loop(
                0, CH, carry=(jnp.zeros((16,), jnp.int32),) * TG)(b_body)

            for j in range(TG):
                lanecnt = jnp.minimum(lanecnts[j], 256)
                trips = jnp.max(lanecnt)
                jsplat = jnp.full((16,), j, jnp.int32)

                def m_body(m, carry):
                    T0, T0i, T1, T1i, rv = carry
                    addr = lanebase + rv + j * (16 * LCAP)
                    valid = rv < lanecnt
                    si = plsc.load_gather(candi, [addr], mask=valid)
                    sv = plsc.load_gather(dbuf, [jsplat, si], mask=valid)
                    sv = jnp.where(valid, sv, _F32MAX)
                    sd, sdi = plsc.sort_key_val(sv, si, descending=True)
                    mk = T1 <= sd
                    cv = jnp.where(mk, T1, sd)
                    ci = jnp.where(mk, T1i, sdi)
                    cd, cdi = plsc.sort_key_val(cv, ci, descending=True)
                    mk2 = T0 <= cd
                    ev = jnp.where(mk2, T0, cd)
                    ei = jnp.where(mk2, T0i, cdi)
                    fv = jnp.where(mk2, cd, T0)
                    fi = jnp.where(mk2, cdi, T0i)
                    T0, T0i = plsc.sort_key_val(ev, ei)
                    T1, T1i = plsc.sort_key_val(fv, fi)
                    return (T0, T0i, T1, T1i, rv + 1)

                zi = jnp.zeros((16,), jnp.int32)
                T0, T0i, T1, T1i, _ = lax.fori_loop(
                    0, trips, m_body, (inf, zi, inf, zi, zi))

                tl = tc * 16 + lane0 + j
                out_base = tl * K
                oi = pl.ds(out_base, 16)
                oi2 = pl.ds(out_base + 16, 16)
                outi_ref[oi] = T0i
                outi_ref[oi2] = T1i
                outv_ref[oi] = T0
                outv_ref[oi2] = T1
            return 0

        lax.fori_loop(0, 16 // TG, gg_body, 0)
        return 0

    lax.fori_loop(0, TPW // 16, tc_body, 0)

    pltpu.sync_copy(outi_ref, out_i.at[pl.ds(wid * TPW * K, TPW * K)])
    pltpu.sync_copy(outv_ref, out_v.at[pl.ds(wid * TPW * K, TPW * K)])


def kernel(source, target):
    bsz, nt = target.shape[0], target.shape[1]
    src_o = jnp.transpose(source, (0, 2, 1)).reshape(-1)
    tgt_o = jnp.transpose(target, (0, 2, 1)).reshape(-1)

    mesh = plsc.VectorSubcoreMesh(core_axis_name="c", subcore_axis_name="s")
    run = pl.kernel(
        _body,
        out_type=(jax.ShapeDtypeStruct((bsz * nt * K,), jnp.int32),
                  jax.ShapeDtypeStruct((bsz * nt * K,), jnp.float32)),
        mesh=mesh,
        scratch_types=[
            pltpu.VMEM((NS,), jnp.float32),
            pltpu.VMEM((NS,), jnp.float32),
            pltpu.VMEM((NS,), jnp.float32),
            pltpu.VMEM((NS,), jnp.float32),
            pltpu.VMEM((TG, NS), jnp.float32),
            pltpu.VMEM((TG * 16 * LCAP,), jnp.int32),
            pltpu.VMEM((TPW,), jnp.float32),
            pltpu.VMEM((TPW,), jnp.float32),
            pltpu.VMEM((TPW,), jnp.float32),
            pltpu.VMEM((TPW,), jnp.float32),
            pltpu.VMEM((TPW,), jnp.float32),
            pltpu.VMEM((TPW,), jnp.float32),
            pltpu.VMEM((TPW,), jnp.float32),
            pltpu.VMEM((TPW * K,), jnp.int32),
            pltpu.VMEM((TPW * K,), jnp.float32),
        ],
        compiler_params=pltpu.CompilerParams(needs_layout_passes=False),
    )
    idx_flat, val_flat = run(src_o, tgt_o)
    idx = idx_flat.reshape(bsz, nt, K)
    vals = val_flat.reshape(bsz, nt, K)
    batch_idx = jnp.tile(
        jnp.arange(bsz, dtype=idx.dtype).reshape(bsz, 1, 1), (1, nt, K))
    patches_idx = jnp.stack([batch_idx, idx], axis=-1)
    return patches_idx, vals

# --- scband reference (transcript-rebuilt; emitter-appended) ---
"""Pipeline reference for scband-dgcnn-8839042695334 (READ-ONLY COPY).

The authoritative reference and input builder live on the scoring server;
editing this copy changes nothing except your own understanding.
"""

import jax, jax.numpy as jnp
import numpy as np

NUM_SAMPLES = 32
SPACING = 0


def setup_inputs(seed: int = 0) -> dict:
    key = jax.random.key(seed)
    k1, k2 = jax.random.split(key)
    source = jax.random.normal(k1, (2, 8192, 3), dtype=jnp.float32)
    target = jax.random.normal(k2, (2, 2048, 3), dtype=jnp.float32)
    return {"source": source, "target": target}


def reference(source, target):
    # Faithful JAX translation of DGCNN's patches_idx kNN core:
    # pairwise squared distances + top-k neighbor retrieval.
    batch_size = source.shape[0]
    num_points_target = target.shape[1]
    num_points_source = source.shape[1]
    assert NUM_SAMPLES * (SPACING + 1) <= num_points_source
    r0 = jnp.sum(target * target, axis=2, keepdims=True)  # [B, Nt, 1]
    r1 = jnp.sum(source * source, axis=2, keepdims=True)  # [B, Ns, 1]
    r1 = jnp.transpose(r1, (0, 2, 1))  # [B, 1, Ns]
    sq_distance_mat = r0 - 2.0 * jnp.matmul(target, jnp.transpose(source, (0, 2, 1))) + r1  # [B, Nt, Ns]
    neg_topk_vals, patches_idx = jax.lax.top_k(-sq_distance_mat, NUM_SAMPLES * (SPACING + 1))
    if SPACING > 0:
        patches_idx = patches_idx[:, :, 0::SPACING + 1]
    batch_idx = jnp.arange(0, batch_size)
    batch_idx = jnp.reshape(batch_idx, (batch_size, 1, 1))
    batch_idx = jnp.tile(batch_idx, (1, num_points_target, NUM_SAMPLES))
    patches_idx = jnp.stack([batch_idx, patches_idx], axis=-1)  # [B, Nt, K, 2]
    return patches_idx, -neg_topk_vals

if __name__ == "__main__":
    import jax
    _d = setup_inputs()
    print(jax.jit(kernel)(*tuple(_d.values())))

</pallas_src>

<mosaic_0001>
#map = affine_map<(d0, d1) -> (0)>
module attributes {stable_mosaic.version = 14 : i64} {
  func.func @_body(%arg0: i32, %arg1: i32, %arg2: memref<49152xf32, #tpu.memory_space<hbm>>, %arg3: memref<12288xf32, #tpu.memory_space<hbm>>, %arg4: memref<131072xi32, #tpu.memory_space<hbm>>, %arg5: memref<131072xf32, #tpu.memory_space<hbm>>, %arg6: memref<8192xf32, #tpu.memory_space<vmem>>, %arg7: memref<8192xf32, #tpu.memory_space<vmem>>, %arg8: memref<8192xf32, #tpu.memory_space<vmem>>, %arg9: memref<8192xf32, #tpu.memory_space<vmem>>, %arg10: memref<4x8192xf32, #tpu.memory_space<vmem>>, %arg11: memref<16448xi32, #tpu.memory_space<vmem>>, %arg12: memref<128xf32, #tpu.memory_space<vmem>>, %arg13: memref<128xf32, #tpu.memory_space<vmem>>, %arg14: memref<128xf32, #tpu.memory_space<vmem>>, %arg15: memref<128xf32, #tpu.memory_space<vmem>>, %arg16: memref<128xf32, #tpu.memory_space<vmem>>, %arg17: memref<128xf32, #tpu.memory_space<vmem>>, %arg18: memref<128xf32, #tpu.memory_space<vmem>>, %arg19: memref<4096xi32, #tpu.memory_space<vmem>>, %arg20: memref<4096xf32, #tpu.memory_space<vmem>>) attributes {dimension_semantics = [#tpu.dimension_semantics<core_parallel>, #tpu.dimension_semantics<subcore_parallel>], iteration_bounds = array<i64: 2, 16>, scalar_prefetch = 0 : i64, scratch_operands = 15 : i64, tpu.core_type = #tpu.core_type<sc_vector_subcore>, window_params = [{transform_indices = #map}, {transform_indices = #map}, {transform_indices = #map}, {transform_indices = #map}]} {
    %mul3A = arith.constant 2 : i32
    %mul3A_0 = arith.muli %arg1, %mul3A : i32
    %add3A = arith.addi %mul3A_0, %arg0 : i32
    %jit3A = arith.constant 16 : i32
    %div3A = arith.divsi %add3A, %jit3A : i32
    %sign3A = arith.constant 0 : i32
    %sign3A_1 = arith.cmpi sgt, %add3A, %sign3A : i32
    %sign3A_2 = arith.extui %sign3A_1 : i1 to i32
    %sign3A_3 = arith.constant 0 : i32
    %sign3A_4 = arith.cmpi slt, %add3A, %sign3A_3 : i32
    %sign3A_5 = arith.extui %sign3A_4 : i1 to i32
    %sign3A_6 = arith.subi %sign3A_2, %sign3A_5 : i32
    %sign3A_7 = arith.constant 0 : i32
    %sign3A_8 = arith.cmpi sgt, %jit3A, %sign3A_7 : i32
    %sign3A_9 = arith.extui %sign3A_8 : i1 to i32
    %sign3A_10 = arith.constant 0 : i32
    %sign3A_11 = arith.cmpi slt, %jit3A, %sign3A_10 : i32
    %sign3A_12 = arith.extui %sign3A_11 : i1 to i32
    %sign3A_13 = arith.subi %sign3A_9, %sign3A_12 : i32
    %ne3A = arith.cmpi ne, %sign3A_6, %sign3A_13 : i32
    %rem3A = arith.remsi %add3A, %jit3A : i32
    %ne3A_14 = arith.constant 0 : i32
    %ne3A_15 = arith.cmpi ne, %rem3A, %ne3A_14 : i32
    %and3A = arith.andi %ne3A, %ne3A_15 : i1
    %sub3A = arith.constant 1 : i32
    %sub3A_16 = arith.subi %div3A, %sub3A : i32
    %select_n3A = arith.select %and3A, %sub3A_16, %div3A : i32
    %jit3A_17 = arith.constant 16 : i32
    %eq3A = arith.constant 0 : i32
    %eq3A_18 = arith.cmpi eq, %jit3A_17, %eq3A : i32
    %jit3A_19 = arith.constant 1 : i32
    %select_n3A_20 = arith.select %eq3A_18, %jit3A_19, %jit3A_17 : i32
    %rem3A_21 = arith.remsi %add3A, %select_n3A_20 : i32
    %ne3A_22 = arith.constant 0 : i32
    %ne3A_23 = arith.cmpi ne, %rem3A_21, %ne3A_22 : i32
    %lt3A = arith.constant 0 : i32
    %lt3A_24 = arith.cmpi slt, %rem3A_21, %lt3A : i32
    %lt3A_25 = arith.constant 0 : i32
    %lt3A_26 = arith.cmpi slt, %select_n3A_20, %lt3A_25 : i32
    %ne3A_27 = arith.xori %lt3A_24, %lt3A_26 : i1
    %and3A_28 = arith.andi %ne3A_27, %ne3A_23 : i1
    %add3A_29 = arith.addi %rem3A_21, %select_n3A_20 : i32
    %select_n3A_30 = arith.select %and3A_28, %add3A_29, %rem3A_21 : i32
    %mul3A_31 = arith.constant 128 : i32
    %mul3A_32 = arith.muli %select_n3A_30, %mul3A_31 : i32
    %mul3A_33 = arith.constant 3 : i32
    %mul3A_34 = arith.muli %select_n3A, %mul3A_33 : i32
    %mul3A_35 = arith.constant 8192 : i32
    %mul3A_36 = arith.muli %mul3A_34, %mul3A_35 : i32
    %run_scoped3A = arith.constant 0 : i32
    "tpu.region"() ({
      %run_scoped3A_83 = tpu.sem_alloc : memref<!tpu.dma_semaphore, #tpu.memory_space<semaphore_mem>>
      %dma_start3A = arith.constant 0 : i32
      %dma_start3A_84 = tpu.memref_slice %arg10[%run_scoped3A, %dma_start3A] : memref<4x8192xf32, #tpu.memory_space<vmem>> -> memref<1x8192xf32, #tpu.memory_space<vmem>>
      %dma_start3A_85 = tpu.memref_squeeze %dma_start3A_84 : memref<1x8192xf32, #tpu.memory_space<vmem>> -> memref<8192xf32, #tpu.memory_space<vmem>>
      %dma_start3A_86 = tpu.memref_slice %arg2[%mul3A_36] : memref<49152xf32, #tpu.memory_space<hbm>> -> memref<8192xf32, #tpu.memory_space<hbm>>
      %dma_start3A_87 = arith.constant 0 : i32
      %dma_start3A_88 = tpu.memref_slice %arg10[%run_scoped3A, %dma_start3A_87] : memref<4x8192xf32, #tpu.memory_space<vmem>> -> memref<1x8192xf32, #tpu.memory_space<vmem>>
      %dma_start3A_89 = tpu.memref_squeeze %dma_start3A_88 : memref<1x8192xf32, #tpu.memory_space<vmem>> -> memref<8192xf32, #tpu.memory_space<vmem>>
      %dma_start3A_90 = tpu.memref_slice %arg2[%mul3A_36] : memref<49152xf32, #tpu.memory_space<hbm>> -> memref<8192xf32, #tpu.memory_space<hbm>>
      tpu.enqueue_dma source(%dma_start3A_90 : memref<8192xf32, #tpu.memory_space<hbm>>) target(%dma_start3A_89 : memref<8192xf32, #tpu.memory_space<vmem>>) target_semaphore(%run_scoped3A_83 : memref<!tpu.dma_semaphore, #tpu.memory_space<semaphore_mem>>)
      %dma_wait3A = arith.constant 0 : i32
      %dma_wait3A_91 = tpu.memref_slice %arg10[%run_scoped3A, %dma_wait3A] : memref<4x8192xf32, #tpu.memory_space<vmem>> -> memref<1x8192xf32, #tpu.memory_space<vmem>>
      %dma_wait3A_92 = tpu.memref_squeeze %dma_wait3A_91 : memref<1x8192xf32, #tpu.memory_space<vmem>> -> memref<8192xf32, #tpu.memory_space<vmem>>
      %dma_wait3A_93 = tpu.memref_slice %arg2[%mul3A_36] : memref<49152xf32, #tpu.memory_space<hbm>> -> memref<8192xf32, #tpu.memory_space<hbm>>
      %dma_wait3A_94 = arith.constant 0 : i32
      %dma_wait3A_95 = tpu.memref_slice %arg10[%run_scoped3A, %dma_wait3A_94] : memref<4x8192xf32, #tpu.memory_space<vmem>> -> memref<1x8192xf32, #tpu.memory_space<vmem>>
      %dma_wait3A_96 = tpu.memref_squeeze %dma_wait3A_95 : memref<1x8192xf32, #tpu.memory_space<vmem>> -> memref<8192xf32, #tpu.memory_space<vmem>>
      %dma_wait3A_97 = tpu.memref_slice %arg2[%mul3A_36] : memref<49152xf32, #tpu.memory_space<hbm>> -> memref<8192xf32, #tpu.memory_space<hbm>>
      tpu.wait_dma2 semaphore(%run_scoped3A_83 : memref<!tpu.dma_semaphore, #tpu.memory_space<semaphore_mem>>) src(%dma_wait3A_97 : memref<8192xf32, #tpu.memory_space<hbm>>) dst(%dma_wait3A_96 : memref<8192xf32, #tpu.memory_space<vmem>>)
      tpu.yield
    }) : () -> ()
    %add3A_37 = arith.constant 8192 : i32
    %add3A_38 = arith.addi %mul3A_36, %add3A_37 : i32
    %run_scoped3A_39 = arith.constant 1 : i32
    "tpu.region"() ({
      %run_scoped3A_83 = tpu.sem_alloc : memref<!tpu.dma_semaphore, #tpu.memory_space<semaphore_mem>>
      %dma_start3A = arith.constant 0 : i32
      %dma_start3A_84 = tpu.memref_slice %arg10[%run_scoped3A_39, %dma_start3A] : memref<4x8192xf32, #tpu.memory_space<vmem>> -> memref<1x8192xf32, #tpu.memory_space<vmem>>
      %dma_start3A_85 = tpu.memref_squeeze %dma_start3A_84 : memref<1x8192xf32, #tpu.memory_space<vmem>> -> memref<8192xf32, #tpu.memory_space<vmem>>
      %dma_start3A_86 = tpu.memref_slice %arg2[%add3A_38] : memref<49152xf32, #tpu.memory_space<hbm>> -> memref<8192xf32, #tpu.memory_space<hbm>>
      %dma_start3A_87 = arith.constant 0 : i32
      %dma_start3A_88 = tpu.memref_slice %arg10[%run_scoped3A_39, %dma_start3A_87] : memref<4x8192xf32, #tpu.memory_space<vmem>> -> memref<1x8192xf32, #tpu.memory_space<vmem>>
      %dma_start3A_89 = tpu.memref_squeeze %dma_start3A_88 : memref<1x8192xf32, #tpu.memory_space<vmem>> -> memref<8192xf32, #tpu.memory_space<vmem>>
      %dma_start3A_90 = tpu.memref_slice %arg2[%add3A_38] : memref<49152xf32, #tpu.memory_space<hbm>> -> memref<8192xf32, #tpu.memory_space<hbm>>
      tpu.enqueue_dma source(%dma_start3A_90 : memref<8192xf32, #tpu.memory_space<hbm>>) target(%dma_start3A_89 : memref<8192xf32, #tpu.memory_space<vmem>>) target_semaphore(%run_scoped3A_83 : memref<!tpu.dma_semaphore, #tpu.memory_space<semaphore_mem>>)
      %dma_wait3A = arith.constant 0 : i32
      %dma_wait3A_91 = tpu.memref_slice %arg10[%run_scoped3A_39, %dma_wait3A] : memref<4x8192xf32, #tpu.memory_space<vmem>> -> memref<1x8192xf32, #tpu.memory_space<vmem>>
      %dma_wait3A_92 = tpu.memref_squeeze %dma_wait3A_91 : memref<1x8192xf32, #tpu.memory_space<vmem>> -> memref<8192xf32, #tpu.memory_space<vmem>>
      %dma_wait3A_93 = tpu.memref_slice %arg2[%add3A_38] : memref<49152xf32, #tpu.memory_space<hbm>> -> memref<8192xf32, #tpu.memory_space<hbm>>
      %dma_wait3A_94 = arith.constant 0 : i32
      %dma_wait3A_95 = tpu.memref_slice %arg10[%run_scoped3A_39, %dma_wait3A_94] : memref<4x8192xf32, #tpu.memory_space<vmem>> -> memref<1x8192xf32, #tpu.memory_space<vmem>>
      %dma_wait3A_96 = tpu.memref_squeeze %dma_wait3A_95 : memref<1x8192xf32, #tpu.memory_space<vmem>> -> memref<8192xf32, #tpu.memory_space<vmem>>
      %dma_wait3A_97 = tpu.memref_slice %arg2[%add3A_38] : memref<49152xf32, #tpu.memory_space<hbm>> -> memref<8192xf32, #tpu.memory_space<hbm>>
      tpu.wait_dma2 semaphore(%run_scoped3A_83 : memref<!tpu.dma_semaphore, #tpu.memory_space<semaphore_mem>>) src(%dma_wait3A_97 : memref<8192xf32, #tpu.memory_space<hbm>>) dst(%dma_wait3A_96 : memref<8192xf32, #tpu.memory_space<vmem>>)
      tpu.yield
    }) : () -> ()
    %add3A_40 = arith.constant 16384 : i32
    %add3A_41 = arith.addi %mul3A_36, %add3A_40 : i32
    %run_scoped3A_42 = arith.constant 2 : i32
    "tpu.region"() ({
      %run_scoped3A_83 = tpu.sem_alloc : memref<!tpu.dma_semaphore, #tpu.memory_space<semaphore_mem>>
      %dma_start3A = arith.constant 0 : i32
      %dma_start3A_84 = tpu.memref_slice %arg10[%run_scoped3A_42, %dma_start3A] : memref<4x8192xf32, #tpu.memory_space<vmem>> -> memref<1x8192xf32, #tpu.memory_space<vmem>>
      %dma_start3A_85 = tpu.memref_squeeze %dma_start3A_84 : memref<1x8192xf32, #tpu.memory_space<vmem>> -> memref<8192xf32, #tpu.memory_space<vmem>>
      %dma_start3A_86 = tpu.memref_slice %arg2[%add3A_41] : memref<49152xf32, #tpu.memory_space<hbm>> -> memref<8192xf32, #tpu.memory_space<hbm>>
      %dma_start3A_87 = arith.constant 0 : i32
      %dma_start3A_88 = tpu.memref_slice %arg10[%run_scoped3A_42, %dma_start3A_87] : memref<4x8192xf32, #tpu.memory_space<vmem>> -> memref<1x8192xf32, #tpu.memory_space<vmem>>
      %dma_start3A_89 = tpu.memref_squeeze %dma_start3A_88 : memref<1x8192xf32, #tpu.memory_space<vmem>> -> memref<8192xf32, #tpu.memory_space<vmem>>
      %dma_start3A_90 = tpu.memref_slice %arg2[%add3A_41] : memref<49152xf32, #tpu.memory_space<hbm>> -> memref<8192xf32, #tpu.memory_space<hbm>>
      tpu.enqueue_dma source(%dma_start3A_90 : memref<8192xf32, #tpu.memory_space<hbm>>) target(%dma_start3A_89 : memref<8192xf32, #tpu.memory_space<vmem>>) target_semaphore(%run_scoped3A_83 : memref<!tpu.dma_semaphore, #tpu.memory_space<semaphore_mem>>)
      %dma_wait3A = arith.constant 0 : i32
      %dma_wait3A_91 = tpu.memref_slice %arg10[%run_scoped3A_42, %dma_wait3A] : memref<4x8192xf32, #tpu.memory_space<vmem>> -> memref<1x8192xf32, #tpu.memory_space<vmem>>
      %dma_wait3A_92 = tpu.memref_squeeze %dma_wait3A_91 : memref<1x8192xf32, #tpu.memory_space<vmem>> -> memref<8192xf32, #tpu.memory_space<vmem>>
      %dma_wait3A_93 = tpu.memref_slice %arg2[%add3A_41] : memref<49152xf32, #tpu.memory_space<hbm>> -> memref<8192xf32, #tpu.memory_space<hbm>>
      %dma_wait3A_94 = arith.constant 0 : i32
      %dma_wait3A_95 = tpu.memref_slice %arg10[%run_scoped3A_42, %dma_wait3A_94] : memref<4x8192xf32, #tpu.memory_space<vmem>> -> memref<1x8192xf32, #tpu.memory_space<vmem>>
      %dma_wait3A_96 = tpu.memref_squeeze %dma_wait3A_95 : memref<1x8192xf32, #tpu.memory_space<vmem>> -> memref<8192xf32, #tpu.memory_space<vmem>>
      %dma_wait3A_97 = tpu.memref_slice %arg2[%add3A_41] : memref<49152xf32, #tpu.memory_space<hbm>> -> memref<8192xf32, #tpu.memory_space<hbm>>
      tpu.wait_dma2 semaphore(%run_scoped3A_83 : memref<!tpu.dma_semaphore, #tpu.memory_space<semaphore_mem>>) src(%dma_wait3A_97 : memref<8192xf32, #tpu.memory_space<hbm>>) dst(%dma_wait3A_96 : memref<8192xf32, #tpu.memory_space<vmem>>)
      tpu.yield
    }) : () -> ()
    %scan3A = arith.constant 0 : i32
    %scan3A_43 = arith.constant 0 : i32
    %scan3A_44 = arith.constant 512 : i32
    %scan3A_45 = arith.addi %scan3A_43, %scan3A_44 : i32
    %scan3A_46 = arith.constant 1 : i32
    %scan3A_47 = scf.for %scan3A_83 = %scan3A_43 to %scan3A_45 step %scan3A_46 iter_args(%scan3A_84 = %scan3A) -> (i32)  : i32 {
      %mul3A_85 = arith.constant 16 : i32
      %mul3A_86 = arith.muli %scan3A_83, %mul3A_85 : i32
      %get3A = arith.constant 0 : i32
      %get3A_87 = arith.index_cast %get3A : i32 to index
      %get3A_88 = arith.index_cast %mul3A_86 : i32 to index
      %get3A_89 = tpu.vector_load %arg10[%get3A_87, %get3A_88] {strides = array<i32>} : memref<4x8192xf32, #tpu.memory_space<vmem>>, vector<16xf32>,
      %get3A_90 = arith.constant 1 : i32
      %get3A_91 = arith.index_cast %get3A_90 : i32 to index
      %get3A_92 = arith.index_cast %mul3A_86 : i32 to index
      %get3A_93 = tpu.vector_load %arg10[%get3A_91, %get3A_92] {strides = array<i32>} : memref<4x8192xf32, #tpu.memory_space<vmem>>, vector<16xf32>,
      %get3A_94 = arith.constant 2 : i32
      %get3A_95 = arith.index_cast %get3A_94 : i32 to index
      %get3A_96 = arith.index_cast %mul3A_86 : i32 to index
      %get3A_97 = tpu.vector_load %arg10[%get3A_95, %get3A_96] {strides = array<i32>} : memref<4x8192xf32, #tpu.memory_space<vmem>>, vector<16xf32>,
      %mul3A_98 = arith.mulf %get3A_89, %get3A_89 : vector<16xf32>
      %mul3A_99 = arith.mulf %get3A_93, %get3A_93 : vector<16xf32>
      %add3A_100 = arith.addf %mul3A_98, %mul3A_99 : vector<16xf32>
      %mul3A_101 = arith.mulf %get3A_97, %get3A_97 : vector<16xf32>
      %add3A_102 = arith.addf %add3A_100, %mul3A_101 : vector<16xf32>
      %swap3A = arith.index_cast %mul3A_86 : i32 to index
      %swap3A_103 = tpu.vector_load %arg9[%swap3A] {strides = array<i32>} : memref<8192xf32, #tpu.memory_space<vmem>>, vector<16xf32>,
      tpu.vector_store %arg9[%swap3A], %add3A_102 {strides = array<i32>} : memref<8192xf32, #tpu.memory_space<vmem>>, vector<16xf32>,
      %bitcast3A = vector.bitcast %get3A_89 : vector<16xf32> to vector<16xi32>
      %shift_right_logical3A = arith.constant 16 : i32
      %shift_right_logical3A_104 = vector.broadcast %shift_right_logical3A : i32 to vector<16xi32>
      %shift_right_logical3A_105 = arith.shrui %bitcast3A, %shift_right_logical3A_104 : vector<16xi32>
      %and3A_106 = arith.constant 1 : i32
      %and3A_107 = vector.broadcast %and3A_106 : i32 to vector<16xi32>
      %and3A_108 = arith.andi %shift_right_logical3A_105, %and3A_107 : vector<16xi32>
      %add3A_109 = arith.constant 32767 : i32
      %add3A_110 = vector.broadcast %add3A_109 : i32 to vector<16xi32>
      %add3A_111 = arith.addi %bitcast3A, %add3A_110 : vector<16xi32>
      %add3A_112 = arith.addi %add3A_111, %and3A_108 : vector<16xi32>
      %and3A_113 = arith.constant -65536 : i32
      %and3A_114 = vector.broadcast %and3A_113 : i32 to vector<16xi32>
      %and3A_115 = arith.andi %add3A_112, %and3A_114 : vector<16xi32>
      %bitcast3A_116 = vector.bitcast %and3A_115 : vector<16xi32> to vector<16xf32>
      %swap3A_117 = arith.index_cast %mul3A_86 : i32 to index
      %swap3A_118 = tpu.vector_load %arg6[%swap3A_117] {strides = array<i32>} : memref<8192xf32, #tpu.memory_space<vmem>>, vector<16xf32>,
      tpu.vector_store %arg6[%swap3A_117], %bitcast3A_116 {strides = array<i32>} : memref<8192xf32, #tpu.memory_space<vmem>>, vector<16xf32>,
      %bitcast3A_119 = vector.bitcast %get3A_93 : vector<16xf32> to vector<16xi32>
      %shift_right_logical3A_120 = arith.constant 16 : i32
      %shift_right_logical3A_121 = vector.broadcast %shift_right_logical3A_120 : i32 to vector<16xi32>
      %shift_right_logical3A_122 = arith.shrui %bitcast3A_119, %shift_right_logical3A_121 : vector<16xi32>
      %and3A_123 = arith.constant 1 : i32
      %and3A_124 = vector.broadcast %and3A_123 : i32 to vector<16xi32>
      %and3A_125 = arith.andi %shift_right_logical3A_122, %and3A_124 : vector<16xi32>
      %add3A_126 = arith.constant 32767 : i32
      %add3A_127 = vector.broadcast %add3A_126 : i32 to vector<16xi32>
      %add3A_128 = arith.addi %bitcast3A_119, %add3A_127 : vector<16xi32>
      %add3A_129 = arith.addi %add3A_128, %and3A_125 : vector<16xi32>
      %and3A_130 = arith.constant -65536 : i32
      %and3A_131 = vector.broadcast %and3A_130 : i32 to vector<16xi32>
      %and3A_132 = arith.andi %add3A_129, %and3A_131 : vector<16xi32>
      %bitcast3A_133 = vector.bitcast %and3A_132 : vector<16xi32> to vector<16xf32>
      %swap3A_134 = arith.index_cast %mul3A_86 : i32 to index
      %swap3A_135 = tpu.vector_load %arg7[%swap3A_134] {strides = array<i32>} : memref<8192xf32, #tpu.memory_space<vmem>>, vector<16xf32>,
      tpu.vector_store %arg7[%swap3A_134], %bitcast3A_133 {strides = array<i32>} : memref<8192xf32, #tpu.memory_space<vmem>>, vector<16xf32>,
      %bitcast3A_136 = vector.bitcast %get3A_97 : vector<16xf32> to vector<16xi32>
      %shift_right_logical3A_137 = arith.constant 16 : i32
      %shift_right_logical3A_138 = vector.broadcast %shift_right_logical3A_137 : i32 to vector<16xi32>
      %shift_right_logical3A_139 = arith.shrui %bitcast3A_136, %shift_right_logical3A_138 : vector<16xi32>
      %and3A_140 = arith.constant 1 : i32
      %and3A_141 = vector.broadcast %and3A_140 : i32 to vector<16xi32>
      %and3A_142 = arith.andi %shift_right_logical3A_139, %and3A_141 : vector<16xi32>
      %add3A_143 = arith.constant 32767 : i32
      %add3A_144 = vector.broadcast %add3A_143 : i32 to vector<16xi32>
      %add3A_145 = arith.addi %bitcast3A_136, %add3A_144 : vector<16xi32>
      %add3A_146 = arith.addi %add3A_145, %and3A_142 : vector<16xi32>
      %and3A_147 = arith.constant -65536 : i32
      %and3A_148 = vector.broadcast %and3A_147 : i32 to vector<16xi32>
      %and3A_149 = arith.andi %add3A_146, %and3A_148 : vector<16xi32>
      %bitcast3A_150 = vector.bitcast %and3A_149 : vector<16xi32> to vector<16xf32>
      %swap3A_151 = arith.index_cast %mul3A_86 : i32 to index
      %swap3A_152 = tpu.vector_load %arg8[%swap3A_151] {strides = array<i32>} : memref<8192xf32, #tpu.memory_space<vmem>>, vector<16xf32>,
      tpu.vector_store %arg8[%swap3A_151], %bitcast3A_150 {strides = array<i32>} : memref<8192xf32, #tpu.memory_space<vmem>>, vector<16xf32>,
      %scan3A_153 = arith.constant 0 : i32
      scf.yield %scan3A_153 : i32
    }
    %scan3A_48 = arith.constant 512 : i32
    %mul3A_49 = arith.constant 3 : i32
    %mul3A_50 = arith.muli %select_n3A, %mul3A_49 : i32
    %mul3A_51 = arith.constant 2048 : i32
    %mul3A_52 = arith.muli %mul3A_50, %mul3A_51 : i32
    %add3A_53 = arith.addi %mul3A_52, %mul3A_32 : i32
    "tpu.region"() ({
      %run_scoped3A_83 = tpu.sem_alloc : memref<!tpu.dma_semaphore, #tpu.memory_space<semaphore_mem>>
      %dma_start3A = tpu.memref_slice %arg3[%add3A_53] : memref<12288xf32, #tpu.memory_space<hbm>> -> memref<128xf32, #tpu.memory_space<hbm>>
      %dma_start3A_84 = tpu.memref_slice %arg3[%add3A_53] : memref<12288xf32, #tpu.memory_space<hbm>> -> memref<128xf32, #tpu.memory_space<hbm>>
      tpu.enqueue_dma source(%dma_start3A_84 : memref<128xf32, #tpu.memory_space<hbm>>) target(%arg15 : memref<128xf32, #tpu.memory_space<vmem>>) target_semaphore(%run_scoped3A_83 : memref<!tpu.dma_semaphore, #tpu.memory_space<semaphore_mem>>)
      %dma_wait3A = tpu.memref_slice %arg3[%add3A_53] : memref<12288xf32, #tpu.memory_space<hbm>> -> memref<128xf32, #tpu.memory_space<hbm>>
      %dma_wait3A_85 = tpu.memref_slice %arg3[%add3A_53] : memref<12288xf32, #tpu.memory_space<hbm>> -> memref<128xf32, #tpu.memory_space<hbm>>
      tpu.wait_dma2 semaphore(%run_scoped3A_83 : memref<!tpu.dma_semaphore, #tpu.memory_space<semaphore_mem>>) src(%dma_wait3A_85 : memref<128xf32, #tpu.memory_space<hbm>>) dst(%arg15 : memref<128xf32, #tpu.memory_space<vmem>>)
      tpu.yield
    }) : () -> ()
    %add3A_54 = arith.constant 2048 : i32
    %add3A_55 = arith.addi %add3A_53, %add3A_54 : i32
    "tpu.region"() ({
      %run_scoped3A_83 = tpu.sem_alloc : memref<!tpu.dma_semaphore, #tpu.memory_space<semaphore_mem>>
      %dma_start3A = tpu.memref_slice %arg3[%add3A_55] : memref<12288xf32, #tpu.memory_space<hbm>> -> memref<128xf32, #tpu.memory_space<hbm>>
      %dma_start3A_84 = tpu.memref_slice %arg3[%add3A_55] : memref<12288xf32, #tpu.memory_space<hbm>> -> memref<128xf32, #tpu.memory_space<hbm>>
      tpu.enqueue_dma source(%dma_start3A_84 : memref<128xf32, #tpu.memory_space<hbm>>) target(%arg16 : memref<128xf32, #tpu.memory_space<vmem>>) target_semaphore(%run_scoped3A_83 : memref<!tpu.dma_semaphore, #tpu.memory_space<semaphore_mem>>)
      %dma_wait3A = tpu.memref_slice %arg3[%add3A_55] : memref<12288xf32, #tpu.memory_space<hbm>> -> memref<128xf32, #tpu.memory_space<hbm>>
      %dma_wait3A_85 = tpu.memref_slice %arg3[%add3A_55] : memref<12288xf32, #tpu.memory_space<hbm>> -> memref<128xf32, #tpu.memory_space<hbm>>
      tpu.wait_dma2 semaphore(%run_scoped3A_83 : memref<!tpu.dma_semaphore, #tpu.memory_space<semaphore_mem>>) src(%dma_wait3A_85 : memref<128xf32, #tpu.memory_space<hbm>>) dst(%arg16 : memref<128xf32, #tpu.memory_space<vmem>>)
      tpu.yield
    }) : () -> ()
    %add3A_56 = arith.constant 4096 : i32
    %add3A_57 = arith.addi %add3A_53, %add3A_56 : i32
    "tpu.region"() ({
      %run_scoped3A_83 = tpu.sem_alloc : memref<!tpu.dma_semaphore, #tpu.memory_space<semaphore_mem>>
      %dma_start3A = tpu.memref_slice %arg3[%add3A_57] : memref<12288xf32, #tpu.memory_space<hbm>> -> memref<128xf32, #tpu.memory_space<hbm>>
      %dma_start3A_84 = tpu.memref_slice %arg3[%add3A_57] : memref<12288xf32, #tpu.memory_space<hbm>> -> memref<128xf32, #tpu.memory_space<hbm>>
      tpu.enqueue_dma source(%dma_start3A_84 : memref<128xf32, #tpu.memory_space<hbm>>) target(%arg17 : memref<128xf32, #tpu.memory_space<vmem>>) target_semaphore(%run_scoped3A_83 : memref<!tpu.dma_semaphore, #tpu.memory_space<semaphore_mem>>)
      %dma_wait3A = tpu.memref_slice %arg3[%add3A_57] : memref<12288xf32, #tpu.memory_space<hbm>> -> memref<128xf32, #tpu.memory_space<hbm>>
      %dma_wait3A_85 = tpu.memref_slice %arg3[%add3A_57] : memref<12288xf32, #tpu.memory_space<hbm>> -> memref<128xf32, #tpu.memory_space<hbm>>
      tpu.wait_dma2 semaphore(%run_scoped3A_83 : memref<!tpu.dma_semaphore, #tpu.memory_space<semaphore_mem>>) src(%dma_wait3A_85 : memref<128xf32, #tpu.memory_space<hbm>>) dst(%arg17 : memref<128xf32, #tpu.memory_space<vmem>>)
      tpu.yield
    }) : () -> ()
    %scan3A_58 = arith.constant 0 : i32
    %scan3A_59 = arith.constant 0 : i32
    %scan3A_60 = arith.constant 8 : i32
    %scan3A_61 = arith.addi %scan3A_59, %scan3A_60 : i32
    %scan3A_62 = arith.constant 1 : i32
    %scan3A_63 = scf.for %scan3A_83 = %scan3A_59 to %scan3A_61 step %scan3A_62 iter_args(%scan3A_84 = %scan3A_58) -> (i32)  : i32 {
      %mul3A_85 = arith.constant 16 : i32
      %mul3A_86 = arith.muli %scan3A_83, %mul3A_85 : i32
      %get3A = arith.index_cast %mul3A_86 : i32 to index
      %get3A_87 = tpu.vector_load %arg15[%get3A] {strides = array<i32>} : memref<128xf32, #tpu.memory_space<vmem>>, vector<16xf32>,
      %get3A_88 = arith.index_cast %mul3A_86 : i32 to index
      %get3A_89 = tpu.vector_load %arg16[%get3A_88] {strides = array<i32>} : memref<128xf32, #tpu.memory_space<vmem>>, vector<16xf32>,
      %get3A_90 = arith.index_cast %mul3A_86 : i32 to index
      %get3A_91 = tpu.vector_load %arg17[%get3A_90] {strides = array<i32>} : memref<128xf32, #tpu.memory_space<vmem>>, vector<16xf32>,
      %mul3A_92 = arith.mulf %get3A_87, %get3A_87 : vector<16xf32>
      %mul3A_93 = arith.mulf %get3A_89, %get3A_89 : vector<16xf32>
      %add3A_94 = arith.addf %mul3A_92, %mul3A_93 : vector<16xf32>
      %mul3A_95 = arith.mulf %get3A_91, %get3A_91 : vector<16xf32>
      %add3A_96 = arith.addf %add3A_94, %mul3A_95 : vector<16xf32>
      %swap3A = arith.index_cast %mul3A_86 : i32 to index
      %swap3A_97 = tpu.vector_load %arg18[%swap3A] {strides = array<i32>} : memref<128xf32, #tpu.memory_space<vmem>>, vector<16xf32>,
      tpu.vector_store %arg18[%swap3A], %add3A_96 {strides = array<i32>} : memref<128xf32, #tpu.memory_space<vmem>>, vector<16xf32>,
      %bitcast3A = vector.bitcast %get3A_87 : vector<16xf32> to vector<16xi32>
      %shift_right_logical3A = arith.constant 16 : i32
      %shift_right_logical3A_98 = vector.broadcast %shift_right_logical3A : i32 to vector<16xi32>
      %shift_right_logical3A_99 = arith.shrui %bitcast3A, %shift_right_logical3A_98 : vector<16xi32>
      %and3A_100 = arith.constant 1 : i32
      %and3A_101 = vector.broadcast %and3A_100 : i32 to vector<16xi32>
      %and3A_102 = arith.andi %shift_right_logical3A_99, %and3A_101 : vector<16xi32>
      %add3A_103 = arith.constant 32767 : i32
      %add3A_104 = vector.broadcast %add3A_103 : i32 to vector<16xi32>
      %add3A_105 = arith.addi %bitcast3A, %add3A_104 : vector<16xi32>
      %add3A_106 = arith.addi %add3A_105, %and3A_102 : vector<16xi32>
      %and3A_107 = arith.constant -65536 : i32
      %and3A_108 = vector.broadcast %and3A_107 : i32 to vector<16xi32>
      %and3A_109 = arith.andi %add3A_106, %and3A_108 : vector<16xi32>
      %bitcast3A_110 = vector.bitcast %and3A_109 : vector<16xi32> to vector<16xf32>
      %mul3A_111 = arith.constant 2.000000e+00 : f32
      %mul3A_112 = vector.broadcast %mul3A_111 : f32 to vector<16xf32>
      %mul3A_113 = arith.mulf %bitcast3A_110, %mul3A_112 : vector<16xf32>
      %swap3A_114 = arith.index_cast %mul3A_86 : i32 to index
      %swap3A_115 = tpu.vector_load %arg12[%swap3A_114] {strides = array<i32>} : memref<128xf32, #tpu.memory_space<vmem>>, vector<16xf32>,
      tpu.vector_store %arg12[%swap3A_114], %mul3A_113 {strides = array<i32>} : memref<128xf32, #tpu.memory_space<vmem>>, vector<16xf32>,
      %bitcast3A_116 = vector.bitcast %get3A_89 : vector<16xf32> to vector<16xi32>
      %shift_right_logical3A_117 = arith.constant 16 : i32
      %shift_right_logical3A_118 = vector.broadcast %shift_right_logical3A_117 : i32 to vector<16xi32>
      %shift_right_logical3A_119 = arith.shrui %bitcast3A_116, %shift_right_logical3A_118 : vector<16xi32>
      %and3A_120 = arith.constant 1 : i32
      %and3A_121 = vector.broadcast %and3A_120 : i32 to vector<16xi32>
      %and3A_122 = arith.andi %shift_right_logical3A_119, %and3A_121 : vector<16xi32>
      %add3A_123 = arith.constant 32767 : i32
      %add3A_124 = vector.broadcast %add3A_123 : i32 to vector<16xi32>
      %add3A_125 = arith.addi %bitcast3A_116, %add3A_124 : vector<16xi32>
      %add3A_126 = arith.addi %add3A_125, %and3A_122 : vector<16xi32>
      %and3A_127 = arith.constant -65536 : i32
      %and3A_128 = vector.broadcast %and3A_127 : i32 to vector<16xi32>
      %and3A_129 = arith.andi %add3A_126, %and3A_128 : vector<16xi32>
      %bitcast3A_130 = vector.bitcast %and3A_129 : vector<16xi32> to vector<16xf32>
      %mul3A_131 = arith.constant 2.000000e+00 : f32
      %mul3A_132 = vector.broadcast %mul3A_131 : f32 to vector<16xf32>
      %mul3A_133 = arith.mulf %bitcast3A_130, %mul3A_132 : vector<16xf32>
      %swap3A_134 = arith.index_cast %mul3A_86 : i32 to index
      %swap3A_135 = tpu.vector_load %arg13[%swap3A_134] {strides = array<i32>} : memref<128xf32, #tpu.memory_space<vmem>>, vector<16xf32>,
      tpu.vector_store %arg13[%swap3A_134], %mul3A_133 {strides = array<i32>} : memref<128xf32, #tpu.memory_space<vmem>>, vector<16xf32>,
      %bitcast3A_136 = vector.bitcast %get3A_91 : vector<16xf32> to vector<16xi32>
      %shift_right_logical3A_137 = arith.constant 16 : i32
      %shift_right_logical3A_138 = vector.broadcast %shift_right_logical3A_137 : i32 to vector<16xi32>
      %shift_right_logical3A_139 = arith.shrui %bitcast3A_136, %shift_right_logical3A_138 : vector<16xi32>
      %and3A_140 = arith.constant 1 : i32
      %and3A_141 = vector.broadcast %and3A_140 : i32 to vector<16xi32>
      %and3A_142 = arith.andi %shift_right_logical3A_139, %and3A_141 : vector<16xi32>
      %add3A_143 = arith.constant 32767 : i32
      %add3A_144 = vector.broadcast %add3A_143 : i32 to vector<16xi32>
      %add3A_145 = arith.addi %bitcast3A_136, %add3A_144 : vector<16xi32>
      %add3A_146 = arith.addi %add3A_145, %and3A_142 : vector<16xi32>
      %and3A_147 = arith.constant -65536 : i32
      %and3A_148 = vector.broadcast %and3A_147 : i32 to vector<16xi32>
      %and3A_149 = arith.andi %add3A_146, %and3A_148 : vector<16xi32>
      %bitcast3A_150 = vector.bitcast %and3A_149 : vector<16xi32> to vector<16xf32>
      %mul3A_151 = arith.constant 2.000000e+00 : f32
      %mul3A_152 = vector.broadcast %mul3A_151 : f32 to vector<16xf32>
      %mul3A_153 = arith.mulf %bitcast3A_150, %mul3A_152 : vector<16xf32>
      %swap3A_154 = arith.index_cast %mul3A_86 : i32 to index
      %swap3A_155 = tpu.vector_load %arg14[%swap3A_154] {strides = array<i32>} : memref<128xf32, #tpu.memory_space<vmem>>, vector<16xf32>,
      tpu.vector_store %arg14[%swap3A_154], %mul3A_153 {strides = array<i32>} : memref<128xf32, #tpu.memory_space<vmem>>, vector<16xf32>,
      %scan3A_156 = arith.constant 0 : i32
      scf.yield %scan3A_156 : i32
    }
    %scan3A_64 = arith.constant 8 : i32
    %iota3A = tpu.iota {dimensions = array<i32: 0>} : vector<16xi32>
    %mul3A_65 = arith.constant 257 : i32
    %mul3A_66 = vector.broadcast %mul3A_65 : i32 to vector<16xi32>
    %mul3A_67 = arith.muli %iota3A, %mul3A_66 : vector<16xi32>
    %scan3A_68 = arith.constant 0 : i32
    %scan3A_69 = arith.constant 0 : i32
    %scan3A_70 = arith.constant 8 : i32
    %scan3A_71 = arith.addi %scan3A_69, %scan3A_70 : i32
    %scan3A_72 = arith.constant 1 : i32
    %scan3A_73 = scf.for %scan3A_83 = %scan3A_69 to %scan3A_71 step %scan3A_72 iter_args(%scan3A_84 = %scan3A_68) -> (i32)  : i32 {
      %mul3A_85 = arith.constant 16 : i32
      %mul3A_86 = arith.muli %scan3A_83, %mul3A_85 : i32
      %get3A = arith.index_cast %mul3A_86 : i32 to index
      %get3A_87 = tpu.vector_load %arg12[%get3A] {strides = array<i32>} : memref<128xf32, #tpu.memory_space<vmem>>, vector<16xf32>,
      %get3A_88 = arith.index_cast %mul3A_86 : i32 to index
      %get3A_89 = tpu.vector_load %arg13[%get3A_88] {strides = array<i32>} : memref<128xf32, #tpu.memory_space<vmem>>, vector<16xf32>,
      %get3A_90 = arith.index_cast %mul3A_86 : i32 to index
      %get3A_91 = tpu.vector_load %arg14[%get3A_90] {strides = array<i32>} : memref<128xf32, #tpu.memory_space<vmem>>, vector<16xf32>,
      %get3A_92 = arith.index_cast %mul3A_86 : i32 to index
      %get3A_93 = tpu.vector_load %arg18[%get3A_92] {strides = array<i32>} : memref<128xf32, #tpu.memory_space<vmem>>, vector<16xf32>,
      %scan3A_94 = arith.constant 0 : i32
      %scan3A_95 = arith.constant 0 : i32
      %scan3A_96 = arith.constant 4 : i32
      %scan3A_97 = arith.addi %scan3A_95, %scan3A_96 : i32
      %scan3A_98 = arith.constant 1 : i32
      %scan3A_99 = scf.for %scan3A_102 = %scan3A_95 to %scan3A_97 step %scan3A_98 iter_args(%scan3A_103 = %scan3A_94) -> (i32)  : i32 {
        %mul3A_104 = arith.constant 4 : i32
        %mul3A_105 = arith.muli %scan3A_102, %mul3A_104 : i32
        %add3A_106 = arith.constant 0 : i32
        %add3A_107 = arith.addi %mul3A_105, %add3A_106 : i32
        %broadcast_in_dim3A = vector.broadcast %add3A_107 : i32 to vector<16xi32>
        %broadcast_in_dim3A_108 = vector.shape_cast %broadcast_in_dim3A : vector<16xi32> to vector<16x1xi32>
        %gather3A = vector.shape_cast %broadcast_in_dim3A_108 : vector<16x1xi32> to vector<16xi32>
        %gather3A_109 = tpu.dynamic_gather %get3A_87[%gather3A] in [0] : vector<16xf32>, vector<16xi32> -> vector<16xf32>
        %add3A_110 = arith.constant 1 : i32
        %add3A_111 = arith.addi %mul3A_105, %add3A_110 : i32
        %broadcast_in_dim3A_112 = vector.broadcast %add3A_111 : i32 to vector<16xi32>
        %broadcast_in_dim3A_113 = vector.shape_cast %broadcast_in_dim3A_112 : vector<16xi32> to vector<16x1xi32>
        %gather3A_114 = vector.shape_cast %broadcast_in_dim3A_113 : vector<16x1xi32> to vector<16xi32>
        %gather3A_115 = tpu.dynamic_gather %get3A_87[%gather3A_114] in [0] : vector<16xf32>, vector<16xi32> -> vector<16xf32>
        %add3A_116 = arith.constant 2 : i32
        %add3A_117 = arith.addi %mul3A_105, %add3A_116 : i32
        %broadcast_in_dim3A_118 = vector.broadcast %add3A_117 : i32 to vector<16xi32>
        %broadcast_in_dim3A_119 = vector.shape_cast %broadcast_in_dim3A_118 : vector<16xi32> to vector<16x1xi32>
        %gather3A_120 = vector.shape_cast %broadcast_in_dim3A_119 : vector<16x1xi32> to vector<16xi32>
        %gather3A_121 = tpu.dynamic_gather %get3A_87[%gather3A_120] in [0] : vector<16xf32>, vector<16xi32> -> vector<16xf32>
        %add3A_122 = arith.constant 3 : i32
        %add3A_123 = arith.addi %mul3A_105, %add3A_122 : i32
        %broadcast_in_dim3A_124 = vector.broadcast %add3A_123 : i32 to vector<16xi32>
        %broadcast_in_dim3A_125 = vector.shape_cast %broadcast_in_dim3A_124 : vector<16xi32> to vector<16x1xi32>
        %gather3A_126 = vector.shape_cast %broadcast_in_dim3A_125 : vector<16x1xi32> to vector<16xi32>
        %gather3A_127 = tpu.dynamic_gather %get3A_87[%gather3A_126] in [0] : vector<16xf32>, vector<16xi32> -> vector<16xf32>
        %add3A_128 = arith.constant 0 : i32
        %add3A_129 = arith.addi %mul3A_105, %add3A_128 : i32
        %broadcast_in_dim3A_130 = vector.broadcast %add3A_129 : i32 to vector<16xi32>
        %broadcast_in_dim3A_131 = vector.shape_cast %broadcast_in_dim3A_130 : vector<16xi32> to vector<16x1xi32>
        %gather3A_132 = vector.shape_cast %broadcast_in_dim3A_131 : vector<16x1xi32> to vector<16xi32>
        %gather3A_133 = tpu.dynamic_gather %get3A_89[%gather3A_132] in [0] : vector<16xf32>, vector<16xi32> -> vector<16xf32>
        %add3A_134 = arith.constant 1 : i32
        %add3A_135 = arith.addi %mul3A_105, %add3A_134 : i32
        %broadcast_in_dim3A_136 = vector.broadcast %add3A_135 : i32 to vector<16xi32>
        %broadcast_in_dim3A_137 = vector.shape_cast %broadcast_in_dim3A_136 : vector<16xi32> to vector<16x1xi32>
        %gather3A_138 = vector.shape_cast %broadcast_in_dim3A_137 : vector<16x1xi32> to vector<16xi32>
        %gather3A_139 = tpu.dynamic_gather %get3A_89[%gather3A_138] in [0] : vector<16xf32>, vector<16xi32> -> vector<16xf32>
        %add3A_140 = arith.constant 2 : i32
        %add3A_141 = arith.addi %mul3A_105, %add3A_140 : i32
        %broadcast_in_dim3A_142 = vector.broadcast %add3A_141 : i32 to vector<16xi32>
        %broadcast_in_dim3A_143 = vector.shape_cast %broadcast_in_dim3A_142 : vector<16xi32> to vector<16x1xi32>
        %gather3A_144 = vector.shape_cast %broadcast_in_dim3A_143 : vector<16x1xi32> to vector<16xi32>
        %gather3A_145 = tpu.dynamic_gather %get3A_89[%gather3A_144] in [0] : vector<16xf32>, vector<16xi32> -> vector<16xf32>
        %add3A_146 = arith.constant 3 : i32
        %add3A_147 = arith.addi %mul3A_105, %add3A_146 : i32
        %broadcast_in_dim3A_148 = vector.broadcast %add3A_147 : i32 to vector<16xi32>
        %broadcast_in_dim3A_149 = vector.shape_cast %broadcast_in_dim3A_148 : vector<16xi32> to vector<16x1xi32>
        %gather3A_150 = vector.shape_cast %broadcast_in_dim3A_149 : vector<16x1xi32> to vector<16xi32>
        %gather3A_151 = tpu.dynamic_gather %get3A_89[%gather3A_150] in [0] : vector<16xf32>, vector<16xi32> -> vector<16xf32>
        %add3A_152 = arith.constant 0 : i32
        %add3A_153 = arith.addi %mul3A_105, %add3A_152 : i32
        %broadcast_in_dim3A_154 = vector.broadcast %add3A_153 : i32 to vector<16xi32>
        %broadcast_in_dim3A_155 = vector.shape_cast %broadcast_in_dim3A_154 : vector<16xi32> to vector<16x1xi32>
        %gather3A_156 = vector.shape_cast %broadcast_in_dim3A_155 : vector<16x1xi32> to vector<16xi32>
        %gather3A_157 = tpu.dynamic_gather %get3A_91[%gather3A_156] in [0] : vector<16xf32>, vector<16xi32> -> vector<16xf32>
        %add3A_158 = arith.constant 1 : i32
        %add3A_159 = arith.addi %mul3A_105, %add3A_158 : i32
        %broadcast_in_dim3A_160 = vector.broadcast %add3A_159 : i32 to vector<16xi32>
        %broadcast_in_dim3A_161 = vector.shape_cast %broadcast_in_dim3A_160 : vector<16xi32> to vector<16x1xi32>
        %gather3A_162 = vector.shape_cast %broadcast_in_dim3A_161 : vector<16x1xi32> to vector<16xi32>
        %gather3A_163 = tpu.dynamic_gather %get3A_91[%gather3A_162] in [0] : vector<16xf32>, vector<16xi32> -> vector<16xf32>
        %add3A_164 = arith.constant 2 : i32
        %add3A_165 = arith.addi %mul3A_105, %add3A_164 : i32
        %broadcast_in_dim3A_166 = vector.broadcast %add3A_165 : i32 to vector<16xi32>
        %broadcast_in_dim3A_167 = vector.shape_cast %broadcast_in_dim3A_166 : vector<16xi32> to vector<16x1xi32>
        %gather3A_168 = vector.shape_cast %broadcast_in_dim3A_167 : vector<16x1xi32> to vector<16xi32>
        %gather3A_169 = tpu.dynamic_gather %get3A_91[%gather3A_168] in [0] : vector<16xf32>, vector<16xi32> -> vector<16xf32>
        %add3A_170 = arith.constant 3 : i32
        %add3A_171 = arith.addi %mul3A_105, %add3A_170 : i32
        %broadcast_in_dim3A_172 = vector.broadcast %add3A_171 : i32 to vector<16xi32>
        %broadcast_in_dim3A_173 = vector.shape_cast %broadcast_in_dim3A_172 : vector<16xi32> to vector<16x1xi32>
        %gather3A_174 = vector.shape_cast %broadcast_in_dim3A_173 : vector<16x1xi32> to vector<16xi32>
        %gather3A_175 = tpu.dynamic_gather %get3A_91[%gather3A_174] in [0] : vector<16xf32>, vector<16xi32> -> vector<16xf32>
        %add3A_176 = arith.constant 0 : i32
        %add3A_177 = arith.addi %mul3A_105, %add3A_176 : i32
        %broadcast_in_dim3A_178 = vector.broadcast %add3A_177 : i32 to vector<16xi32>
        %broadcast_in_dim3A_179 = vector.shape_cast %broadcast_in_dim3A_178 : vector<16xi32> to vector<16x1xi32>
        %gather3A_180 = vector.shape_cast %broadcast_in_dim3A_179 : vector<16x1xi32> to vector<16xi32>
        %gather3A_181 = tpu.dynamic_gather %get3A_93[%gather3A_180] in [0] : vector<16xf32>, vector<16xi32> -> vector<16xf32>
        %add3A_182 = arith.constant 1 : i32
        %add3A_183 = arith.addi %mul3A_105, %add3A_182 : i32
        %broadcast_in_dim3A_184 = vector.broadcast %add3A_183 : i32 to vector<16xi32>
        %broadcast_in_dim3A_185 = vector.shape_cast %broadcast_in_dim3A_184 : vector<16xi32> to vector<16x1xi32>
        %gather3A_186 = vector.shape_cast %broadcast_in_dim3A_185 : vector<16x1xi32> to vector<16xi32>
        %gather3A_187 = tpu.dynamic_gather %get3A_93[%gather3A_186] in [0] : vector<16xf32>, vector<16xi32> -> vector<16xf32>
        %add3A_188 = arith.constant 2 : i32
        %add3A_189 = arith.addi %mul3A_105, %add3A_188 : i32
        %broadcast_in_dim3A_190 = vector.broadcast %add3A_189 : i32 to vector<16xi32>
        %broadcast_in_dim3A_191 = vector.shape_cast %broadcast_in_dim3A_190 : vector<16xi32> to vector<16x1xi32>
        %gather3A_192 = vector.shape_cast %broadcast_in_dim3A_191 : vector<16x1xi32> to vector<16xi32>
        %gather3A_193 = tpu.dynamic_gather %get3A_93[%gather3A_192] in [0] : vector<16xf32>, vector<16xi32> -> vector<16xf32>
        %add3A_194 = arith.constant 3 : i32
        %add3A_195 = arith.addi %mul3A_105, %add3A_194 : i32
        %broadcast_in_dim3A_196 = vector.broadcast %add3A_195 : i32 to vector<16xi32>
        %broadcast_in_dim3A_197 = vector.shape_cast %broadcast_in_dim3A_196 : vector<16xi32> to vector<16x1xi32>
        %gather3A_198 = vector.shape_cast %broadcast_in_dim3A_197 : vector<16x1xi32> to vector<16xi32>
        %gather3A_199 = tpu.dynamic_gather %get3A_93[%gather3A_198] in [0] : vector<16xf32>, vector<16xi32> -> vector<16xf32>
        %broadcast_in_dim3A_200 = arith.constant 3.40282347E+38 : f32
        %broadcast_in_dim3A_201 = vector.broadcast %broadcast_in_dim3A_200 : f32 to vector<16xf32>
        %parallel_loop3A = arith.constant 0 : i32
        %parallel_loop3A_202 = arith.constant 512 : i32
        %parallel_loop3A_203 = arith.constant 1 : i32
        %parallel_loop3A_204:8 = scf.for %parallel_loop3A_411 = %parallel_loop3A to %parallel_loop3A_202 step %parallel_loop3A_203 iter_args(%parallel_loop3A_412 = %broadcast_in_dim3A_201, %parallel_loop3A_413 = %broadcast_in_dim3A_201, %parallel_loop3A_414 = %broadcast_in_dim3A_201, %parallel_loop3A_415 = %broadcast_in_dim3A_201, %parallel_loop3A_416 = %broadcast_in_dim3A_201, %parallel_loop3A_417 = %broadcast_in_dim3A_201, %parallel_loop3A_418 = %broadcast_in_dim3A_201, %parallel_loop3A_419 = %broadcast_in_dim3A_201) -> (vector<16xf32>, vector<16xf32>, vector<16xf32>, vector<16xf32>, vector<16xf32>, vector<16xf32>, vector<16xf32>, vector<16xf32>)  : i32 {
          %parallel_loop3A_420 = arith.constant 16 : i32
          %parallel_loop3A_421 = arith.muli %parallel_loop3A_411, %parallel_loop3A_420 : i32
          %parallel_loop3A_422 = arith.index_cast %parallel_loop3A_421 : i32 to index
          %parallel_loop3A_423 = tpu.vector_load %arg6[%parallel_loop3A_422] {strides = array<i32>} : memref<8192xf32, #tpu.memory_space<vmem>>, vector<16xf32>,
          %parallel_loop3A_424 = arith.index_cast %parallel_loop3A_421 : i32 to index
          %parallel_loop3A_425 = tpu.vector_load %arg7[%parallel_loop3A_424] {strides = array<i32>} : memref<8192xf32, #tpu.memory_space<vmem>>, vector<16xf32>,
          %parallel_loop3A_426 = arith.index_cast %parallel_loop3A_421 : i32 to index
          %parallel_loop3A_427 = tpu.vector_load %arg8[%parallel_loop3A_426] {strides = array<i32>} : memref<8192xf32, #tpu.memory_space<vmem>>, vector<16xf32>,
          %parallel_loop3A_428 = arith.index_cast %parallel_loop3A_421 : i32 to index
          %parallel_loop3A_429 = tpu.vector_load %arg9[%parallel_loop3A_428] {strides = array<i32>} : memref<8192xf32, #tpu.memory_space<vmem>>, vector<16xf32>,
          %parallel_loop3A_430 = arith.mulf %parallel_loop3A_423, %gather3A_109 : vector<16xf32>
          %parallel_loop3A_431 = arith.mulf %parallel_loop3A_425, %gather3A_133 : vector<16xf32>
          %parallel_loop3A_432 = arith.addf %parallel_loop3A_430, %parallel_loop3A_431 : vector<16xf32>
          %parallel_loop3A_433 = arith.mulf %parallel_loop3A_427, %gather3A_157 : vector<16xf32>
          %parallel_loop3A_434 = arith.addf %parallel_loop3A_432, %parallel_loop3A_433 : vector<16xf32>
          %parallel_loop3A_435 = arith.subf %gather3A_181, %parallel_loop3A_434 : vector<16xf32>
          %parallel_loop3A_436 = arith.addf %parallel_loop3A_435, %parallel_loop3A_429 : vector<16xf32>
          %parallel_loop3A_437 = arith.constant 0 : i32
          %parallel_loop3A_438 = arith.index_cast %parallel_loop3A_437 : i32 to index
          %parallel_loop3A_439 = arith.index_cast %parallel_loop3A_421 : i32 to index
          %parallel_loop3A_440 = tpu.vector_load %arg10[%parallel_loop3A_438, %parallel_loop3A_439] {strides = array<i32>} : memref<4x8192xf32, #tpu.memory_space<vmem>>, vector<16xf32>,
          tpu.vector_store %arg10[%parallel_loop3A_438, %parallel_loop3A_439], %parallel_loop3A_436 {strides = array<i32>} : memref<4x8192xf32, #tpu.memory_space<vmem>>, vector<16xf32>,
          %parallel_loop3A_441 = arith.minimumf %parallel_loop3A_412, %parallel_loop3A_436 : vector<16xf32>
          %parallel_loop3A_442 = arith.maximumf %parallel_loop3A_412, %parallel_loop3A_436 : vector<16xf32>
          %parallel_loop3A_443 = arith.minimumf %parallel_loop3A_442, %parallel_loop3A_413 : vector<16xf32>
          %parallel_loop3A_444 = arith.mulf %parallel_loop3A_423, %gather3A_115 : vector<16xf32>
          %parallel_loop3A_445 = arith.mulf %parallel_loop3A_425, %gather3A_139 : vector<16xf32>
          %parallel_loop3A_446 = arith.addf %parallel_loop3A_444, %parallel_loop3A_445 : vector<16xf32>
          %parallel_loop3A_447 = arith.mulf %parallel_loop3A_427, %gather3A_163 : vector<16xf32>
          %parallel_loop3A_448 = arith.addf %parallel_loop3A_446, %parallel_loop3A_447 : vector<16xf32>
          %parallel_loop3A_449 = arith.subf %gather3A_187, %parallel_loop3A_448 : vector<16xf32>
          %parallel_loop3A_450 = arith.addf %parallel_loop3A_449, %parallel_loop3A_429 : vector<16xf32>
          %parallel_loop3A_451 = arith.constant 1 : i32
          %parallel_loop3A_452 = arith.index_cast %parallel_loop3A_451 : i32 to index
          %parallel_loop3A_453 = arith.index_cast %parallel_loop3A_421 : i32 to index
          %parallel_loop3A_454 = tpu.vector_load %arg10[%parallel_loop3A_452, %parallel_loop3A_453] {strides = array<i32>} : memref<4x8192xf32, #tpu.memory_space<vmem>>, vector<16xf32>,
          tpu.vector_store %arg10[%parallel_loop3A_452, %parallel_loop3A_453], %parallel_loop3A_450 {strides = array<i32>} : memref<4x8192xf32, #tpu.memory_space<vmem>>, vector<16xf32>,
          %parallel_loop3A_455 = arith.minimumf %parallel_loop3A_414, %parallel_loop3A_450 : vector<16xf32>
          %parallel_loop3A_456 = arith.maximumf %parallel_loop3A_414, %parallel_loop3A_450 : vector<16xf32>
          %parallel_loop3A_457 = arith.minimumf %parallel_loop3A_456, %parallel_loop3A_415 : vector<16xf32>
          %parallel_loop3A_458 = arith.mulf %parallel_loop3A_423, %gather3A_121 : vector<16xf32>
          %parallel_loop3A_459 = arith.mulf %parallel_loop3A_425, %gather3A_145 : vector<16xf32>
          %parallel_loop3A_460 = arith.addf %parallel_loop3A_458, %parallel_loop3A_459 : vector<16xf32>
          %parallel_loop3A_461 = arith.mulf %parallel_loop3A_427, %gather3A_169 : vector<16xf32>
          %parallel_loop3A_462 = arith.addf %parallel_loop3A_460, %parallel_loop3A_461 : vector<16xf32>
          %parallel_loop3A_463 = arith.subf %gather3A_193, %parallel_loop3A_462 : vector<16xf32>
          %parallel_loop3A_464 = arith.addf %parallel_loop3A_463, %parallel_loop3A_429 : vector<16xf32>
          %parallel_loop3A_465 = arith.constant 2 : i32
          %parallel_loop3A_466 = arith.index_cast %parallel_loop3A_465 : i32 to index
          %parallel_loop3A_467 = arith.index_cast %parallel_loop3A_421 : i32 to index
          %parallel_loop3A_468 = tpu.vector_load %arg10[%parallel_loop3A_466, %parallel_loop3A_467] {strides = array<i32>} : memref<4x8192xf32, #tpu.memory_space<vmem>>, vector<16xf32>,
          tpu.vector_store %arg10[%parallel_loop3A_466, %parallel_loop3A_467], %parallel_loop3A_464 {strides = array<i32>} : memref<4x8192xf32, #tpu.memory_space<vmem>>, vector<16xf32>,
          %parallel_loop3A_469 = arith.minimumf %parallel_loop3A_416, %parallel_loop3A_464 : vector<16xf32>
          %parallel_loop3A_470 = arith.maximumf %parallel_loop3A_416, %parallel_loop3A_464 : vector<16xf32>
          %parallel_loop3A_471 = arith.minimumf %parallel_loop3A_470, %parallel_loop3A_417 : vector<16xf32>
          %parallel_loop3A_472 = arith.mulf %parallel_loop3A_423, %gather3A_127 : vector<16xf32>
          %parallel_loop3A_473 = arith.mulf %parallel_loop3A_425, %gather3A_151 : vector<16xf32>
          %parallel_loop3A_474 = arith.addf %parallel_loop3A_472, %parallel_loop3A_473 : vector<16xf32>
          %parallel_loop3A_475 = arith.mulf %parallel_loop3A_427, %gather3A_175 : vector<16xf32>
          %parallel_loop3A_476 = arith.addf %parallel_loop3A_474, %parallel_loop3A_475 : vector<16xf32>
          %parallel_loop3A_477 = arith.subf %gather3A_199, %parallel_loop3A_476 : vector<16xf32>
          %parallel_loop3A_478 = arith.addf %parallel_loop3A_477, %parallel_loop3A_429 : vector<16xf32>
          %parallel_loop3A_479 = arith.constant 3 : i32
          %parallel_loop3A_480 = arith.index_cast %parallel_loop3A_479 : i32 to index
          %parallel_loop3A_481 = arith.index_cast %parallel_loop3A_421 : i32 to index
          %parallel_loop3A_482 = tpu.vector_load %arg10[%parallel_loop3A_480, %parallel_loop3A_481] {strides = array<i32>} : memref<4x8192xf32, #tpu.memory_space<vmem>>, vector<16xf32>,
          tpu.vector_store %arg10[%parallel_loop3A_480, %parallel_loop3A_481], %parallel_loop3A_478 {strides = array<i32>} : memref<4x8192xf32, #tpu.memory_space<vmem>>, vector<16xf32>,
          %parallel_loop3A_483 = arith.minimumf %parallel_loop3A_418, %parallel_loop3A_478 : vector<16xf32>
          %parallel_loop3A_484 = arith.maximumf %parallel_loop3A_418, %parallel_loop3A_478 : vector<16xf32>
          %parallel_loop3A_485 = arith.minimumf %parallel_loop3A_484, %parallel_loop3A_419 : vector<16xf32>
          scf.yield %parallel_loop3A_441, %parallel_loop3A_443, %parallel_loop3A_455, %parallel_loop3A_457, %parallel_loop3A_469, %parallel_loop3A_471, %parallel_loop3A_483, %parallel_loop3A_485 : vector<16xf32>, vector<16xf32>, vector<16xf32>, vector<16xf32>, vector<16xf32>, vector<16xf32>, vector<16xf32>, vector<16xf32>
        } {sc.loop_unroll_factor = 1 : i64, sc.parallel_access}
        %broadcast_in_dim3A_205 = arith.constant true
        %broadcast_in_dim3A_206 = vector.broadcast %broadcast_in_dim3A_205 : i1 to vector<16xi1>
        %masked_cummax3A = tpu.scan <max>, %parallel_loop3A_204#1 masked %broadcast_in_dim3A_206 : vector<16xf32>, vector<16xi1> -> vector<16xf32>
        %broadcast_in_dim3A_207 = arith.constant 15 : i32
        %broadcast_in_dim3A_208 = vector.broadcast %broadcast_in_dim3A_207 : i32 to vector<16xi32>
        %broadcast_in_dim3A_209 = vector.shape_cast %broadcast_in_dim3A_208 : vector<16xi32> to vector<16x1xi32>
        %gather3A_210 = vector.shape_cast %broadcast_in_dim3A_209 : vector<16x1xi32> to vector<16xi32>
        %gather3A_211 = tpu.dynamic_gather %masked_cummax3A[%gather3A_210] in [0] : vector<16xf32>, vector<16xi32> -> vector<16xf32>
        %broadcast_in_dim3A_212 = arith.constant true
        %broadcast_in_dim3A_213 = vector.broadcast %broadcast_in_dim3A_212 : i1 to vector<16xi1>
        %masked_cummax3A_214 = tpu.scan <max>, %parallel_loop3A_204#3 masked %broadcast_in_dim3A_213 : vector<16xf32>, vector<16xi1> -> vector<16xf32>
        %broadcast_in_dim3A_215 = arith.constant 15 : i32
        %broadcast_in_dim3A_216 = vector.broadcast %broadcast_in_dim3A_215 : i32 to vector<16xi32>
        %broadcast_in_dim3A_217 = vector.shape_cast %broadcast_in_dim3A_216 : vector<16xi32> to vector<16x1xi32>
        %gather3A_218 = vector.shape_cast %broadcast_in_dim3A_217 : vector<16x1xi32> to vector<16xi32>
        %gather3A_219 = tpu.dynamic_gather %masked_cummax3A_214[%gather3A_218] in [0] : vector<16xf32>, vector<16xi32> -> vector<16xf32>
        %broadcast_in_dim3A_220 = arith.constant true
        %broadcast_in_dim3A_221 = vector.broadcast %broadcast_in_dim3A_220 : i1 to vector<16xi1>
        %masked_cummax3A_222 = tpu.scan <max>, %parallel_loop3A_204#5 masked %broadcast_in_dim3A_221 : vector<16xf32>, vector<16xi1> -> vector<16xf32>
        %broadcast_in_dim3A_223 = arith.constant 15 : i32
        %broadcast_in_dim3A_224 = vector.broadcast %broadcast_in_dim3A_223 : i32 to vector<16xi32>
        %broadcast_in_dim3A_225 = vector.shape_cast %broadcast_in_dim3A_224 : vector<16xi32> to vector<16x1xi32>
        %gather3A_226 = vector.shape_cast %broadcast_in_dim3A_225 : vector<16x1xi32> to vector<16xi32>
        %gather3A_227 = tpu.dynamic_gather %masked_cummax3A_222[%gather3A_226] in [0] : vector<16xf32>, vector<16xi32> -> vector<16xf32>
        %broadcast_in_dim3A_228 = arith.constant true
        %broadcast_in_dim3A_229 = vector.broadcast %broadcast_in_dim3A_228 : i1 to vector<16xi1>
        %masked_cummax3A_230 = tpu.scan <max>, %parallel_loop3A_204#7 masked %broadcast_in_dim3A_229 : vector<16xf32>, vector<16xi1> -> vector<16xf32>
        %broadcast_in_dim3A_231 = arith.constant 15 : i32
        %broadcast_in_dim3A_232 = vector.broadcast %broadcast_in_dim3A_231 : i32 to vector<16xi32>
        %broadcast_in_dim3A_233 = vector.shape_cast %broadcast_in_dim3A_232 : vector<16xi32> to vector<16x1xi32>
        %gather3A_234 = vector.shape_cast %broadcast_in_dim3A_233 : vector<16x1xi32> to vector<16xi32>
        %gather3A_235 = tpu.dynamic_gather %masked_cummax3A_230[%gather3A_234] in [0] : vector<16xf32>, vector<16xi32> -> vector<16xf32>
        %broadcast_in_dim3A_236 = arith.constant 0 : i32
        %broadcast_in_dim3A_237 = vector.broadcast %broadcast_in_dim3A_236 : i32 to vector<16xi32>
        %parallel_loop3A_238 = arith.constant 0 : i32
        %parallel_loop3A_239 = arith.constant 512 : i32
        %parallel_loop3A_240 = arith.constant 1 : i32
        %parallel_loop3A_241:4 = scf.for %parallel_loop3A_411 = %parallel_loop3A_238 to %parallel_loop3A_239 step %parallel_loop3A_240 iter_args(%parallel_loop3A_412 = %broadcast_in_dim3A_237, %parallel_loop3A_413 = %broadcast_in_dim3A_237, %parallel_loop3A_414 = %broadcast_in_dim3A_237, %parallel_loop3A_415 = %broadcast_in_dim3A_237) -> (vector<16xi32>, vector<16xi32>, vector<16xi32>, vector<16xi32>)  : i32 {
          %parallel_loop3A_416 = arith.constant 16 : i32
          %parallel_loop3A_417 = arith.muli %parallel_loop3A_411, %parallel_loop3A_416 : i32
          %parallel_loop3A_418 = arith.constant 16 : i32
          %parallel_loop3A_419 = arith.muli %parallel_loop3A_411, %parallel_loop3A_418 : i32
          %parallel_loop3A_420 = vector.broadcast %parallel_loop3A_419 : i32 to vector<16xi32>
          %parallel_loop3A_421 = arith.addi %parallel_loop3A_420, %iota3A : vector<16xi32>
          %parallel_loop3A_422 = arith.constant 0 : i32
          %parallel_loop3A_423 = arith.index_cast %parallel_loop3A_422 : i32 to index
          %parallel_loop3A_424 = arith.index_cast %parallel_loop3A_417 : i32 to index
          %parallel_loop3A_425 = tpu.vector_load %arg10[%parallel_loop3A_423, %parallel_loop3A_424] {strides = array<i32>} : memref<4x8192xf32, #tpu.memory_space<vmem>>, vector<16xf32>,
          %parallel_loop3A_426 = arith.constant 1 : i32
          %parallel_loop3A_427 = arith.index_cast %parallel_loop3A_426 : i32 to index
          %parallel_loop3A_428 = arith.index_cast %parallel_loop3A_417 : i32 to index
          %parallel_loop3A_429 = tpu.vector_load %arg10[%parallel_loop3A_427, %parallel_loop3A_428] {strides = array<i32>} : memref<4x8192xf32, #tpu.memory_space<vmem>>, vector<16xf32>,
          %parallel_loop3A_430 = arith.constant 2 : i32
          %parallel_loop3A_431 = arith.index_cast %parallel_loop3A_430 : i32 to index
          %parallel_loop3A_432 = arith.index_cast %parallel_loop3A_417 : i32 to index
          %parallel_loop3A_433 = tpu.vector_load %arg10[%parallel_loop3A_431, %parallel_loop3A_432] {strides = array<i32>} : memref<4x8192xf32, #tpu.memory_space<vmem>>, vector<16xf32>,
          %parallel_loop3A_434 = arith.constant 3 : i32
          %parallel_loop3A_435 = arith.index_cast %parallel_loop3A_434 : i32 to index
          %parallel_loop3A_436 = arith.index_cast %parallel_loop3A_417 : i32 to index
          %parallel_loop3A_437 = tpu.vector_load %arg10[%parallel_loop3A_435, %parallel_loop3A_436] {strides = array<i32>} : memref<4x8192xf32, #tpu.memory_space<vmem>>, vector<16xf32>,
          %parallel_loop3A_438 = arith.cmpf ole, %parallel_loop3A_425, %gather3A_211 : vector<16xf32>
          %parallel_loop3A_439 = arith.cmpf ole, %parallel_loop3A_429, %gather3A_219 : vector<16xf32>
          %parallel_loop3A_440 = arith.cmpf ole, %parallel_loop3A_433, %gather3A_227 : vector<16xf32>
          %parallel_loop3A_441 = arith.cmpf ole, %parallel_loop3A_437, %gather3A_235 : vector<16xf32>
          %parallel_loop3A_442 = arith.constant 0 : i32
          %parallel_loop3A_443 = vector.broadcast %parallel_loop3A_442 : i32 to vector<16xi32>
          %parallel_loop3A_444 = arith.addi %mul3A_67, %parallel_loop3A_443 : vector<16xi32>
          %parallel_loop3A_445 = arith.constant 255 : i32
          %parallel_loop3A_446 = vector.broadcast %parallel_loop3A_445 : i32 to vector<16xi32>
          %parallel_loop3A_447 = arith.andi %parallel_loop3A_412, %parallel_loop3A_446 : vector<16xi32>
          %parallel_loop3A_448 = arith.addi %parallel_loop3A_444, %parallel_loop3A_447 : vector<16xi32>
          %parallel_loop3A_449 = arith.constant 4112 : i32
          %parallel_loop3A_450 = vector.broadcast %parallel_loop3A_449 : i32 to vector<16xi32>
          %parallel_loop3A_451 = arith.addi %mul3A_67, %parallel_loop3A_450 : vector<16xi32>
          %parallel_loop3A_452 = arith.constant 255 : i32
          %parallel_loop3A_453 = vector.broadcast %parallel_loop3A_452 : i32 to vector<16xi32>
          %parallel_loop3A_454 = arith.andi %parallel_loop3A_413, %parallel_loop3A_453 : vector<16xi32>
          %parallel_loop3A_455 = arith.addi %parallel_loop3A_451, %parallel_loop3A_454 : vector<16xi32>
          %parallel_loop3A_456 = arith.constant 8224 : i32
          %parallel_loop3A_457 = vector.broadcast %parallel_loop3A_456 : i32 to vector<16xi32>
          %parallel_loop3A_458 = arith.addi %mul3A_67, %parallel_loop3A_457 : vector<16xi32>
          %parallel_loop3A_459 = arith.constant 255 : i32
          %parallel_loop3A_460 = vector.broadcast %parallel_loop3A_459 : i32 to vector<16xi32>
          %parallel_loop3A_461 = arith.andi %parallel_loop3A_414, %parallel_loop3A_460 : vector<16xi32>
          %parallel_loop3A_462 = arith.addi %parallel_loop3A_458, %parallel_loop3A_461 : vector<16xi32>
          %parallel_loop3A_463 = arith.constant 12336 : i32
          %parallel_loop3A_464 = vector.broadcast %parallel_loop3A_463 : i32 to vector<16xi32>
          %parallel_loop3A_465 = arith.addi %mul3A_67, %parallel_loop3A_464 : vector<16xi32>
          %parallel_loop3A_466 = arith.constant 255 : i32
          %parallel_loop3A_467 = vector.broadcast %parallel_loop3A_466 : i32 to vector<16xi32>
          %parallel_loop3A_468 = arith.andi %parallel_loop3A_415, %parallel_loop3A_467 : vector<16xi32>
          %parallel_loop3A_469 = arith.addi %parallel_loop3A_465, %parallel_loop3A_468 : vector<16xi32>
          %parallel_loop3A_470 = arith.constant 1 : i32
          %parallel_loop3A_471 = arith.constant 0 : i32
          %parallel_loop3A_472 = vector.broadcast %parallel_loop3A_470 : i32 to vector<16xi32>
          %parallel_loop3A_473 = vector.broadcast %parallel_loop3A_471 : i32 to vector<16xi32>
          %parallel_loop3A_474 = arith.select %parallel_loop3A_438, %parallel_loop3A_472, %parallel_loop3A_473 : vector<16xi1>, vector<16xi32>
          %parallel_loop3A_475 = arith.addi %parallel_loop3A_412, %parallel_loop3A_474 : vector<16xi32>
          %parallel_loop3A_476 = arith.constant 1 : i32
          %parallel_loop3A_477 = arith.constant 0 : i32
          %parallel_loop3A_478 = vector.broadcast %parallel_loop3A_476 : i32 to vector<16xi32>
          %parallel_loop3A_479 = vector.broadcast %parallel_loop3A_477 : i32 to vector<16xi32>
          %parallel_loop3A_480 = arith.select %parallel_loop3A_439, %parallel_loop3A_478, %parallel_loop3A_479 : vector<16xi1>, vector<16xi32>
          %parallel_loop3A_481 = arith.addi %parallel_loop3A_413, %parallel_loop3A_480 : vector<16xi32>
          %parallel_loop3A_482 = arith.constant 1 : i32
          %parallel_loop3A_483 = arith.constant 0 : i32
          %parallel_loop3A_484 = vector.broadcast %parallel_loop3A_482 : i32 to vector<16xi32>
          %parallel_loop3A_485 = vector.broadcast %parallel_loop3A_483 : i32 to vector<16xi32>
          %parallel_loop3A_486 = arith.select %parallel_loop3A_440, %parallel_loop3A_484, %parallel_loop3A_485 : vector<16xi1>, vector<16xi32>
          %parallel_loop3A_487 = arith.addi %parallel_loop3A_414, %parallel_loop3A_486 : vector<16xi32>
          %parallel_loop3A_488 = arith.constant 1 : i32
          %parallel_loop3A_489 = arith.constant 0 : i32
          %parallel_loop3A_490 = vector.broadcast %parallel_loop3A_488 : i32 to vector<16xi32>
          %parallel_loop3A_491 = vector.broadcast %parallel_loop3A_489 : i32 to vector<16xi32>
          %parallel_loop3A_492 = arith.select %parallel_loop3A_441, %parallel_loop3A_490, %parallel_loop3A_491 : vector<16xi1>, vector<16xi32>
          %parallel_loop3A_493 = arith.addi %parallel_loop3A_415, %parallel_loop3A_492 : vector<16xi32>
          tpu.vector_store_idx %arg11[%parallel_loop3A_448], %parallel_loop3A_421 masked %parallel_loop3A_438 : memref<16448xi32, #tpu.memory_space<vmem>>[vector<16xi32>], vector<16xi32>, vector<16xi1>
          tpu.vector_store_idx %arg11[%parallel_loop3A_455], %parallel_loop3A_421 masked %parallel_loop3A_439 : memref<16448xi32, #tpu.memory_space<vmem>>[vector<16xi32>], vector<16xi32>, vector<16xi1>
          tpu.vector_store_idx %arg11[%parallel_loop3A_462], %parallel_loop3A_421 masked %parallel_loop3A_440 : memref<16448xi32, #tpu.memory_space<vmem>>[vector<16xi32>], vector<16xi32>, vector<16xi1>
          tpu.vector_store_idx %arg11[%parallel_loop3A_469], %parallel_loop3A_421 masked %parallel_loop3A_441 : memref<16448xi32, #tpu.memory_space<vmem>>[vector<16xi32>], vector<16xi32>, vector<16xi1>
          scf.yield %parallel_loop3A_475, %parallel_loop3A_481, %parallel_loop3A_487, %parallel_loop3A_493 : vector<16xi32>, vector<16xi32>, vector<16xi32>, vector<16xi32>
        } {sc.loop_unroll_factor = 1 : i64, sc.parallel_access}
        %min3A = arith.constant 256 : i32
        %min3A_242 = vector.broadcast %min3A : i32 to vector<16xi32>
        %min3A_243 = arith.minsi %parallel_loop3A_241#0, %min3A_242 : vector<16xi32>
        %reduce_max3A = arith.constant true
        %reduce_max3A_244 = vector.broadcast %reduce_max3A : i1 to vector<16xi1>
        %reduce_max3A_245 = arith.constant -2147483648 : i32
        %reduce_max3A_246 = vector.broadcast %reduce_max3A_245 : i32 to vector<16xi32>
        %reduce_max3A_247 = arith.xori %min3A_243, %reduce_max3A_246 : vector<16xi32>
        %reduce_max3A_248 = tpu.scan <max>, %reduce_max3A_247 masked %reduce_max3A_244 : vector<16xi32>, vector<16xi1> -> vector<16xi32>
        %reduce_max3A_249 = arith.xori %reduce_max3A_248, %reduce_max3A_246 : vector<16xi32>
        %reduce_max3A_250 = vector.extract %reduce_max3A_249[15] : i32 from vector<16xi32>
        %broadcast_in_dim3A_251 = arith.constant 0 : i32
        %broadcast_in_dim3A_252 = vector.broadcast %broadcast_in_dim3A_251 : i32 to vector<16xi32>
        %broadcast_in_dim3A_253 = arith.constant 0 : i32
        %broadcast_in_dim3A_254 = vector.broadcast %broadcast_in_dim3A_253 : i32 to vector<16xi32>
        %while3A = arith.constant 0 : i32
        %while3A_255 = arith.subi %reduce_max3A_250, %while3A : i32
        %while3A_256 = arith.addi %while3A, %while3A_255 : i32
        %while3A_257 = arith.constant 1 : i32
        %while3A_258 = arith.divsi %while3A_255, %while3A_257 : i32
        %while3A_259 = arith.muli %while3A_258, %while3A_257 : i32
        %while3A_260 = arith.addi %while3A, %while3A_259 : i32
        %while3A_261 = arith.constant 1 : i32
        %while3A_262:5 = scf.for %while3A_411 = %while3A to %while3A_260 step %while3A_261 iter_args(%while3A_412 = %broadcast_in_dim3A_201, %while3A_413 = %broadcast_in_dim3A_254, %while3A_414 = %broadcast_in_dim3A_201, %while3A_415 = %broadcast_in_dim3A_254, %while3A_416 = %broadcast_in_dim3A_254) -> (vector<16xf32>, vector<16xi32>, vector<16xf32>, vector<16xi32>, vector<16xi32>)  : i32 {
          %add3A_417 = arith.addi %mul3A_67, %while3A_416 : vector<16xi32>
          %add3A_418 = arith.constant 0 : i32
          %add3A_419 = vector.broadcast %add3A_418 : i32 to vector<16xi32>
          %add3A_420 = arith.addi %add3A_417, %add3A_419 : vector<16xi32>
          %lt3A_421 = arith.cmpi slt, %while3A_416, %min3A_243 : vector<16xi32>
          %gather3A_422 = tpu.vector_load_idx %arg11[%add3A_420] masked %lt3A_421 : memref<16448xi32, #tpu.memory_space<vmem>>[vector<16xi32>], vector<16xi32>, vector<16xi1>
          %gather3A_423 = tpu.vector_load_idx %arg10[%broadcast_in_dim3A_252, %gather3A_422] masked %lt3A_421 : memref<4x8192xf32, #tpu.memory_space<vmem>>[vector<16xi32>, vector<16xi32>], vector<16xf32>, vector<16xi1>
          %jit3A_424 = arith.constant 3.40282347E+38 : f32
          %broadcast_in_dim3A_425 = vector.broadcast %jit3A_424 : f32 to vector<16xf32>
          %select_n3A_426 = arith.select %lt3A_421, %gather3A_423, %broadcast_in_dim3A_425 : vector<16xi1>, vector<16xf32>
          %masked_sort3A = arith.constant dense<true> : vector<16xi1>
          %masked_sort3A_427, %masked_sort3A_428, %masked_sort3A_429 = tpu.sort %select_n3A_426, %gather3A_422 masked %masked_sort3A {descending = true} : (vector<16xf32>, vector<16xi32>, vector<16xi1>) -> (vector<16xi1>, vector<16xf32>, vector<16xi32>)
          %le3A = arith.cmpf ole, %while3A_414, %masked_sort3A_428 : vector<16xf32>
          %select_n3A_430 = arith.select %le3A, %while3A_414, %masked_sort3A_428 : vector<16xi1>, vector<16xf32>
          %select_n3A_431 = arith.select %le3A, %while3A_415, %masked_sort3A_429 : vector<16xi1>, vector<16xi32>
          %masked_sort3A_432 = arith.constant dense<true> : vector<16xi1>
          %masked_sort3A_433, %masked_sort3A_434, %masked_sort3A_435 = tpu.sort %select_n3A_430, %select_n3A_431 masked %masked_sort3A_432 {descending = true} : (vector<16xf32>, vector<16xi32>, vector<16xi1>) -> (vector<16xi1>, vector<16xf32>, vector<16xi32>)
          %le3A_436 = arith.cmpf ole, %while3A_412, %masked_sort3A_434 : vector<16xf32>
          %select_n3A_437 = arith.select %le3A_436, %while3A_412, %masked_sort3A_434 : vector<16xi1>, vector<16xf32>
          %select_n3A_438 = arith.select %le3A_436, %while3A_413, %masked_sort3A_435 : vector<16xi1>, vector<16xi32>
          %select_n3A_439 = arith.select %le3A_436, %masked_sort3A_434, %while3A_412 : vector<16xi1>, vector<16xf32>
          %select_n3A_440 = arith.select %le3A_436, %masked_sort3A_435, %while3A_413 : vector<16xi1>, vector<16xi32>
          %masked_sort3A_441 = arith.constant dense<true> : vector<16xi1>
          %masked_sort3A_442, %masked_sort3A_443, %masked_sort3A_444 = tpu.sort %select_n3A_437, %select_n3A_438 masked %masked_sort3A_441 : (vector<16xf32>, vector<16xi32>, vector<16xi1>) -> (vector<16xi1>, vector<16xf32>, vector<16xi32>)
          %masked_sort3A_445 = arith.constant dense<true> : vector<16xi1>
          %masked_sort3A_446, %masked_sort3A_447, %masked_sort3A_448 = tpu.sort %select_n3A_439, %select_n3A_440 masked %masked_sort3A_445 : (vector<16xf32>, vector<16xi32>, vector<16xi1>) -> (vector<16xi1>, vector<16xf32>, vector<16xi32>)
          %add3A_449 = arith.constant 1 : i32
          %add3A_450 = vector.broadcast %add3A_449 : i32 to vector<16xi32>
          %add3A_451 = arith.addi %while3A_416, %add3A_450 : vector<16xi32>
          scf.yield %masked_sort3A_443, %masked_sort3A_444, %masked_sort3A_447, %masked_sort3A_448, %add3A_451 : vector<16xf32>, vector<16xi32>, vector<16xf32>, vector<16xi32>, vector<16xi32>
        }
        %while3A_263 = arith.constant 1 : i32
        %while3A_264:5 = scf.for %while3A_411 = %while3A_260 to %while3A_256 step %while3A_263 iter_args(%while3A_412 = %while3A_262#0, %while3A_413 = %while3A_262#1, %while3A_414 = %while3A_262#2, %while3A_415 = %while3A_262#3, %while3A_416 = %while3A_262#4) -> (vector<16xf32>, vector<16xi32>, vector<16xf32>, vector<16xi32>, vector<16xi32>)  : i32 {
          %add3A_417 = arith.addi %mul3A_67, %while3A_416 : vector<16xi32>
          %add3A_418 = arith.constant 0 : i32
          %add3A_419 = vector.broadcast %add3A_418 : i32 to vector<16xi32>
          %add3A_420 = arith.addi %add3A_417, %add3A_419 : vector<16xi32>
          %lt3A_421 = arith.cmpi slt, %while3A_416, %min3A_243 : vector<16xi32>
          %gather3A_422 = tpu.vector_load_idx %arg11[%add3A_420] masked %lt3A_421 : memref<16448xi32, #tpu.memory_space<vmem>>[vector<16xi32>], vector<16xi32>, vector<16xi1>
          %gather3A_423 = tpu.vector_load_idx %arg10[%broadcast_in_dim3A_252, %gather3A_422] masked %lt3A_421 : memref<4x8192xf32, #tpu.memory_space<vmem>>[vector<16xi32>, vector<16xi32>], vector<16xf32>, vector<16xi1>
          %jit3A_424 = arith.constant 3.40282347E+38 : f32
          %broadcast_in_dim3A_425 = vector.broadcast %jit3A_424 : f32 to vector<16xf32>
          %select_n3A_426 = arith.select %lt3A_421, %gather3A_423, %broadcast_in_dim3A_425 : vector<16xi1>, vector<16xf32>
          %masked_sort3A = arith.constant dense<true> : vector<16xi1>
          %masked_sort3A_427, %masked_sort3A_428, %masked_sort3A_429 = tpu.sort %select_n3A_426, %gather3A_422 masked %masked_sort3A {descending = true} : (vector<16xf32>, vector<16xi32>, vector<16xi1>) -> (vector<16xi1>, vector<16xf32>, vector<16xi32>)
          %le3A = arith.cmpf ole, %while3A_414, %masked_sort3A_428 : vector<16xf32>
          %select_n3A_430 = arith.select %le3A, %while3A_414, %masked_sort3A_428 : vector<16xi1>, vector<16xf32>
          %select_n3A_431 = arith.select %le3A, %while3A_415, %masked_sort3A_429 : vector<16xi1>, vector<16xi32>
          %masked_sort3A_432 = arith.constant dense<true> : vector<16xi1>
          %masked_sort3A_433, %masked_sort3A_434, %masked_sort3A_435 = tpu.sort %select_n3A_430, %select_n3A_431 masked %masked_sort3A_432 {descending = true} : (vector<16xf32>, vector<16xi32>, vector<16xi1>) -> (vector<16xi1>, vector<16xf32>, vector<16xi32>)
          %le3A_436 = arith.cmpf ole, %while3A_412, %masked_sort3A_434 : vector<16xf32>
          %select_n3A_437 = arith.select %le3A_436, %while3A_412, %masked_sort3A_434 : vector<16xi1>, vector<16xf32>
          %select_n3A_438 = arith.select %le3A_436, %while3A_413, %masked_sort3A_435 : vector<16xi1>, vector<16xi32>
          %select_n3A_439 = arith.select %le3A_436, %masked_sort3A_434, %while3A_412 : vector<16xi1>, vector<16xf32>
          %select_n3A_440 = arith.select %le3A_436, %masked_sort3A_435, %while3A_413 : vector<16xi1>, vector<16xi32>
          %masked_sort3A_441 = arith.constant dense<true> : vector<16xi1>
          %masked_sort3A_442, %masked_sort3A_443, %masked_sort3A_444 = tpu.sort %select_n3A_437, %select_n3A_438 masked %masked_sort3A_441 : (vector<16xf32>, vector<16xi32>, vector<16xi1>) -> (vector<16xi1>, vector<16xf32>, vector<16xi32>)
          %masked_sort3A_445 = arith.constant dense<true> : vector<16xi1>
          %masked_sort3A_446, %masked_sort3A_447, %masked_sort3A_448 = tpu.sort %select_n3A_439, %select_n3A_440 masked %masked_sort3A_445 : (vector<16xf32>, vector<16xi32>, vector<16xi1>) -> (vector<16xi1>, vector<16xf32>, vector<16xi32>)
          %add3A_449 = arith.constant 1 : i32
          %add3A_450 = vector.broadcast %add3A_449 : i32 to vector<16xi32>
          %add3A_451 = arith.addi %while3A_416, %add3A_450 : vector<16xi32>
          scf.yield %masked_sort3A_443, %masked_sort3A_444, %masked_sort3A_447, %masked_sort3A_448, %add3A_451 : vector<16xf32>, vector<16xi32>, vector<16xf32>, vector<16xi32>, vector<16xi32>
        }
        %mul3A_265 = arith.constant 16 : i32
        %mul3A_266 = arith.muli %scan3A_83, %mul3A_265 : i32
        %add3A_267 = arith.addi %mul3A_266, %mul3A_105 : i32
        %add3A_268 = arith.constant 0 : i32
        %add3A_269 = arith.addi %add3A_267, %add3A_268 : i32
        %mul3A_270 = arith.constant 32 : i32
        %mul3A_271 = arith.muli %add3A_269, %mul3A_270 : i32
        %add3A_272 = arith.constant 16 : i32
        %add3A_273 = arith.addi %mul3A_271, %add3A_272 : i32
        %swap3A = arith.index_cast %mul3A_271 : i32 to index
        %swap3A_274 = tpu.vector_load %arg19[%swap3A] {strides = array<i32>} : memref<4096xi32, #tpu.memory_space<vmem>>, vector<16xi32>,
        tpu.vector_store %arg19[%swap3A], %while3A_264#1 {strides = array<i32>} : memref<4096xi32, #tpu.memory_space<vmem>>, vector<16xi32>,
        %swap3A_275 = arith.index_cast %add3A_273 : i32 to index
        %swap3A_276 = tpu.vector_load %arg19[%swap3A_275] {strides = array<i32>} : memref<4096xi32, #tpu.memory_space<vmem>>, vector<16xi32>,
        tpu.vector_store %arg19[%swap3A_275], %while3A_264#3 {strides = array<i32>} : memref<4096xi32, #tpu.memory_space<vmem>>, vector<16xi32>,
        %swap3A_277 = arith.index_cast %mul3A_271 : i32 to index
        %swap3A_278 = tpu.vector_load %arg20[%swap3A_277] {strides = array<i32>} : memref<4096xf32, #tpu.memory_space<vmem>>, vector<16xf32>,
        tpu.vector_store %arg20[%swap3A_277], %while3A_264#0 {strides = array<i32>} : memref<4096xf32, #tpu.memory_space<vmem>>, vector<16xf32>,
        %swap3A_279 = arith.index_cast %add3A_273 : i32 to index
        %swap3A_280 = tpu.vector_load %arg20[%swap3A_279] {strides = array<i32>} : memref<4096xf32, #tpu.memory_space<vmem>>, vector<16xf32>,
        tpu.vector_store %arg20[%swap3A_279], %while3A_264#2 {strides = array<i32>} : memref<4096xf32, #tpu.memory_space<vmem>>, vector<16xf32>,
        %min3A_281 = arith.constant 256 : i32
        %min3A_282 = vector.broadcast %min3A_281 : i32 to vector<16xi32>
        %min3A_283 = arith.minsi %parallel_loop3A_241#1, %min3A_282 : vector<16xi32>
        %reduce_max3A_284 = arith.constant true
        %reduce_max3A_285 = vector.broadcast %reduce_max3A_284 : i1 to vector<16xi1>
        %reduce_max3A_286 = arith.constant -2147483648 : i32
        %reduce_max3A_287 = vector.broadcast %reduce_max3A_286 : i32 to vector<16xi32>
        %reduce_max3A_288 = arith.xori %min3A_283, %reduce_max3A_287 : vector<16xi32>
        %reduce_max3A_289 = tpu.scan <max>, %reduce_max3A_288 masked %reduce_max3A_285 : vector<16xi32>, vector<16xi1> -> vector<16xi32>
        %reduce_max3A_290 = arith.xori %reduce_max3A_289, %reduce_max3A_287 : vector<16xi32>
        %reduce_max3A_291 = vector.extract %reduce_max3A_290[15] : i32 from vector<16xi32>
        %broadcast_in_dim3A_292 = arith.constant 1 : i32
        %broadcast_in_dim3A_293 = vector.broadcast %broadcast_in_dim3A_292 : i32 to vector<16xi32>
        %broadcast_in_dim3A_294 = arith.constant 0 : i32
        %broadcast_in_dim3A_295 = vector.broadcast %broadcast_in_dim3A_294 : i32 to vector<16xi32>
        %while3A_296 = arith.constant 0 : i32
        %while3A_297 = arith.subi %reduce_max3A_291, %while3A_296 : i32
        %while3A_298 = arith.addi %while3A_296, %while3A_297 : i32
        %while3A_299 = arith.constant 1 : i32
        %while3A_300 = arith.divsi %while3A_297, %while3A_299 : i32
        %while3A_301 = arith.muli %while3A_300, %while3A_299 : i32
        %while3A_302 = arith.addi %while3A_296, %while3A_301 : i32
        %while3A_303 = arith.constant 1 : i32
        %while3A_304:5 = scf.for %while3A_411 = %while3A_296 to %while3A_302 step %while3A_303 iter_args(%while3A_412 = %broadcast_in_dim3A_201, %while3A_413 = %broadcast_in_dim3A_295, %while3A_414 = %broadcast_in_dim3A_201, %while3A_415 = %broadcast_in_dim3A_295, %while3A_416 = %broadcast_in_dim3A_295) -> (vector<16xf32>, vector<16xi32>, vector<16xf32>, vector<16xi32>, vector<16xi32>)  : i32 {
          %add3A_417 = arith.addi %mul3A_67, %while3A_416 : vector<16xi32>
          %add3A_418 = arith.constant 4112 : i32
          %add3A_419 = vector.broadcast %add3A_418 : i32 to vector<16xi32>
          %add3A_420 = arith.addi %add3A_417, %add3A_419 : vector<16xi32>
          %lt3A_421 = arith.cmpi slt, %while3A_416, %min3A_283 : vector<16xi32>
          %gather3A_422 = tpu.vector_load_idx %arg11[%add3A_420] masked %lt3A_421 : memref<16448xi32, #tpu.memory_space<vmem>>[vector<16xi32>], vector<16xi32>, vector<16xi1>
          %gather3A_423 = tpu.vector_load_idx %arg10[%broadcast_in_dim3A_293, %gather3A_422] masked %lt3A_421 : memref<4x8192xf32, #tpu.memory_space<vmem>>[vector<16xi32>, vector<16xi32>], vector<16xf32>, vector<16xi1>
          %jit3A_424 = arith.constant 3.40282347E+38 : f32
          %broadcast_in_dim3A_425 = vector.broadcast %jit3A_424 : f32 to vector<16xf32>
          %select_n3A_426 = arith.select %lt3A_421, %gather3A_423, %broadcast_in_dim3A_425 : vector<16xi1>, vector<16xf32>
          %masked_sort3A = arith.constant dense<true> : vector<16xi1>
          %masked_sort3A_427, %masked_sort3A_428, %masked_sort3A_429 = tpu.sort %select_n3A_426, %gather3A_422 masked %masked_sort3A {descending = true} : (vector<16xf32>, vector<16xi32>, vector<16xi1>) -> (vector<16xi1>, vector<16xf32>, vector<16xi32>)
          %le3A = arith.cmpf ole, %while3A_414, %masked_sort3A_428 : vector<16xf32>
          %select_n3A_430 = arith.select %le3A, %while3A_414, %masked_sort3A_428 : vector<16xi1>, vector<16xf32>
          %select_n3A_431 = arith.select %le3A, %while3A_415, %masked_sort3A_429 : vector<16xi1>, vector<16xi32>
          %masked_sort3A_432 = arith.constant dense<true> : vector<16xi1>
          %masked_sort3A_433, %masked_sort3A_434, %masked_sort3A_435 = tpu.sort %select_n3A_430, %select_n3A_431 masked %masked_sort3A_432 {descending = true} : (vector<16xf32>, vector<16xi32>, vector<16xi1>) -> (vector<16xi1>, vector<16xf32>, vector<16xi32>)
          %le3A_436 = arith.cmpf ole, %while3A_412, %masked_sort3A_434 : vector<16xf32>
          %select_n3A_437 = arith.select %le3A_436, %while3A_412, %masked_sort3A_434 : vector<16xi1>, vector<16xf32>
          %select_n3A_438 = arith.select %le3A_436, %while3A_413, %masked_sort3A_435 : vector<16xi1>, vector<16xi32>
          %select_n3A_439 = arith.select %le3A_436, %masked_sort3A_434, %while3A_412 : vector<16xi1>, vector<16xf32>
          %select_n3A_440 = arith.select %le3A_436, %masked_sort3A_435, %while3A_413 : vector<16xi1>, vector<16xi32>
          %masked_sort3A_441 = arith.constant dense<true> : vector<16xi1>
          %masked_sort3A_442, %masked_sort3A_443, %masked_sort3A_444 = tpu.sort %select_n3A_437, %select_n3A_438 masked %masked_sort3A_441 : (vector<16xf32>, vector<16xi32>, vector<16xi1>) -> (vector<16xi1>, vector<16xf32>, vector<16xi32>)
          %masked_sort3A_445 = arith.constant dense<true> : vector<16xi1>
          %masked_sort3A_446, %masked_sort3A_447, %masked_sort3A_448 = tpu.sort %select_n3A_439, %select_n3A_440 masked %masked_sort3A_445 : (vector<16xf32>, vector<16xi32>, vector<16xi1>) -> (vector<16xi1>, vector<16xf32>, vector<16xi32>)
          %add3A_449 = arith.constant 1 : i32
          %add3A_450 = vector.broadcast %add3A_449 : i32 to vector<16xi32>
          %add3A_451 = arith.addi %while3A_416, %add3A_450 : vector<16xi32>
          scf.yield %masked_sort3A_443, %masked_sort3A_444, %masked_sort3A_447, %masked_sort3A_448, %add3A_451 : vector<16xf32>, vector<16xi32>, vector<16xf32>, vector<16xi32>, vector<16xi32>
        }
        %while3A_305 = arith.constant 1 : i32
        %while3A_306:5 = scf.for %while3A_411 = %while3A_302 to %while3A_298 step %while3A_305 iter_args(%while3A_412 = %while3A_304#0, %while3A_413 = %while3A_304#1, %while3A_414 = %while3A_304#2, %while3A_415 = %while3A_304#3, %while3A_416 = %while3A_304#4) -> (vector<16xf32>, vector<16xi32>, vector<16xf32>, vector<16xi32>, vector<16xi32>)  : i32 {
          %add3A_417 = arith.addi %mul3A_67, %while3A_416 : vector<16xi32>
          %add3A_418 = arith.constant 4112 : i32
          %add3A_419 = vector.broadcast %add3A_418 : i32 to vector<16xi32>
          %add3A_420 = arith.addi %add3A_417, %add3A_419 : vector<16xi32>
          %lt3A_421 = arith.cmpi slt, %while3A_416, %min3A_283 : vector<16xi32>
          %gather3A_422 = tpu.vector_load_idx %arg11[%add3A_420] masked %lt3A_421 : memref<16448xi32, #tpu.memory_space<vmem>>[vector<16xi32>], vector<16xi32>, vector<16xi1>
          %gather3A_423 = tpu.vector_load_idx %arg10[%broadcast_in_dim3A_293, %gather3A_422] masked %lt3A_421 : memref<4x8192xf32, #tpu.memory_space<vmem>>[vector<16xi32>, vector<16xi32>], vector<16xf32>, vector<16xi1>
          %jit3A_424 = arith.constant 3.40282347E+38 : f32
          %broadcast_in_dim3A_425 = vector.broadcast %jit3A_424 : f32 to vector<16xf32>
          %select_n3A_426 = arith.select %lt3A_421, %gather3A_423, %broadcast_in_dim3A_425 : vector<16xi1>, vector<16xf32>
          %masked_sort3A = arith.constant dense<true> : vector<16xi1>
          %masked_sort3A_427, %masked_sort3A_428, %masked_sort3A_429 = tpu.sort %select_n3A_426, %gather3A_422 masked %masked_sort3A {descending = true} : (vector<16xf32>, vector<16xi32>, vector<16xi1>) -> (vector<16xi1>, vector<16xf32>, vector<16xi32>)
          %le3A = arith.cmpf ole, %while3A_414, %masked_sort3A_428 : vector<16xf32>
          %select_n3A_430 = arith.select %le3A, %while3A_414, %masked_sort3A_428 : vector<16xi1>, vector<16xf32>
          %select_n3A_431 = arith.select %le3A, %while3A_415, %masked_sort3A_429 : vector<16xi1>, vector<16xi32>
          %masked_sort3A_432 = arith.constant dense<true> : vector<16xi1>
          %masked_sort3A_433, %masked_sort3A_434, %masked_sort3A_435 = tpu.sort %select_n3A_430, %select_n3A_431 masked %masked_sort3A_432 {descending = true} : (vector<16xf32>, vector<16xi32>, vector<16xi1>) -> (vector<16xi1>, vector<16xf32>, vector<16xi32>)
          %le3A_436 = arith.cmpf ole, %while3A_412, %masked_sort3A_434 : vector<16xf32>
          %select_n3A_437 = arith.select %le3A_436, %while3A_412, %masked_sort3A_434 : vector<16xi1>, vector<16xf32>
          %select_n3A_438 = arith.select %le3A_436, %while3A_413, %masked_sort3A_435 : vector<16xi1>, vector<16xi32>
          %select_n3A_439 = arith.select %le3A_436, %masked_sort3A_434, %while3A_412 : vector<16xi1>, vector<16xf32>
          %select_n3A_440 = arith.select %le3A_436, %masked_sort3A_435, %while3A_413 : vector<16xi1>, vector<16xi32>
          %masked_sort3A_441 = arith.constant dense<true> : vector<16xi1>
          %masked_sort3A_442, %masked_sort3A_443, %masked_sort3A_444 = tpu.sort %select_n3A_437, %select_n3A_438 masked %masked_sort3A_441 : (vector<16xf32>, vector<16xi32>, vector<16xi1>) -> (vector<16xi1>, vector<16xf32>, vector<16xi32>)
          %masked_sort3A_445 = arith.constant dense<true> : vector<16xi1>
          %masked_sort3A_446, %masked_sort3A_447, %masked_sort3A_448 = tpu.sort %select_n3A_439, %select_n3A_440 masked %masked_sort3A_445 : (vector<16xf32>, vector<16xi32>, vector<16xi1>) -> (vector<16xi1>, vector<16xf32>, vector<16xi32>)
          %add3A_449 = arith.constant 1 : i32
          %add3A_450 = vector.broadcast %add3A_449 : i32 to vector<16xi32>
          %add3A_451 = arith.addi %while3A_416, %add3A_450 : vector<16xi32>
          scf.yield %masked_sort3A_443, %masked_sort3A_444, %masked_sort3A_447, %masked_sort3A_448, %add3A_451 : vector<16xf32>, vector<16xi32>, vector<16xf32>, vector<16xi32>, vector<16xi32>
        }
        %mul3A_307 = arith.constant 16 : i32
        %mul3A_308 = arith.muli %scan3A_83, %mul3A_307 : i32
        %add3A_309 = arith.addi %mul3A_308, %mul3A_105 : i32
        %add3A_310 = arith.constant 1 : i32
        %add3A_311 = arith.addi %add3A_309, %add3A_310 : i32
        %mul3A_312 = arith.constant 32 : i32
        %mul3A_313 = arith.muli %add3A_311, %mul3A_312 : i32
        %add3A_314 = arith.constant 16 : i32
        %add3A_315 = arith.addi %mul3A_313, %add3A_314 : i32
        %swap3A_316 = arith.index_cast %mul3A_313 : i32 to index
        %swap3A_317 = tpu.vector_load %arg19[%swap3A_316] {strides = array<i32>} : memref<4096xi32, #tpu.memory_space<vmem>>, vector<16xi32>,
        tpu.vector_store %arg19[%swap3A_316], %while3A_306#1 {strides = array<i32>} : memref<4096xi32, #tpu.memory_space<vmem>>, vector<16xi32>,
        %swap3A_318 = arith.index_cast %add3A_315 : i32 to index
        %swap3A_319 = tpu.vector_load %arg19[%swap3A_318] {strides = array<i32>} : memref<4096xi32, #tpu.memory_space<vmem>>, vector<16xi32>,
        tpu.vector_store %arg19[%swap3A_318], %while3A_306#3 {strides = array<i32>} : memref<4096xi32, #tpu.memory_space<vmem>>, vector<16xi32>,
        %swap3A_320 = arith.index_cast %mul3A_313 : i32 to index
        %swap3A_321 = tpu.vector_load %arg20[%swap3A_320] {strides = array<i32>} : memref<4096xf32, #tpu.memory_space<vmem>>, vector<16xf32>,
        tpu.vector_store %arg20[%swap3A_320], %while3A_306#0 {strides = array<i32>} : memref<4096xf32, #tpu.memory_space<vmem>>, vector<16xf32>,
        %swap3A_322 = arith.index_cast %add3A_315 : i32 to index
        %swap3A_323 = tpu.vector_load %arg20[%swap3A_322] {strides = array<i32>} : memref<4096xf32, #tpu.memory_space<vmem>>, vector<16xf32>,
        tpu.vector_store %arg20[%swap3A_322], %while3A_306#2 {strides = array<i32>} : memref<4096xf32, #tpu.memory_space<vmem>>, vector<16xf32>,
        %min3A_324 = arith.constant 256 : i32
        %min3A_325 = vector.broadcast %min3A_324 : i32 to vector<16xi32>
        %min3A_326 = arith.minsi %parallel_loop3A_241#2, %min3A_325 : vector<16xi32>
        %reduce_max3A_327 = arith.constant true
        %reduce_max3A_328 = vector.broadcast %reduce_max3A_327 : i1 to vector<16xi1>
        %reduce_max3A_329 = arith.constant -2147483648 : i32
        %reduce_max3A_330 = vector.broadcast %reduce_max3A_329 : i32 to vector<16xi32>
        %reduce_max3A_331 = arith.xori %min3A_326, %reduce_max3A_330 : vector<16xi32>
        %reduce_max3A_332 = tpu.scan <max>, %reduce_max3A_331 masked %reduce_max3A_328 : vector<16xi32>, vector<16xi1> -> vector<16xi32>
        %reduce_max3A_333 = arith.xori %reduce_max3A_332, %reduce_max3A_330 : vector<16xi32>
        %reduce_max3A_334 = vector.extract %reduce_max3A_333[15] : i32 from vector<16xi32>
        %broadcast_in_dim3A_335 = arith.constant 2 : i32
        %broadcast_in_dim3A_336 = vector.broadcast %broadcast_in_dim3A_335 : i32 to vector<16xi32>
        %broadcast_in_dim3A_337 = arith.constant 0 : i32
        %broadcast_in_dim3A_338 = vector.broadcast %broadcast_in_dim3A_337 : i32 to vector<16xi32>
        %while3A_339 = arith.constant 0 : i32
        %while3A_340 = arith.subi %reduce_max3A_334, %while3A_339 : i32
        %while3A_341 = arith.addi %while3A_339, %while3A_340 : i32
        %while3A_342 = arith.constant 1 : i32
        %while3A_343 = arith.divsi %while3A_340, %while3A_342 : i32
        %while3A_344 = arith.muli %while3A_343, %while3A_342 : i32
        %while3A_345 = arith.addi %while3A_339, %while3A_344 : i32
        %while3A_346 = arith.constant 1 : i32
        %while3A_347:5 = scf.for %while3A_411 = %while3A_339 to %while3A_345 step %while3A_346 iter_args(%while3A_412 = %broadcast_in_dim3A_201, %while3A_413 = %broadcast_in_dim3A_338, %while3A_414 = %broadcast_in_dim3A_201, %while3A_415 = %broadcast_in_dim3A_338, %while3A_416 = %broadcast_in_dim3A_338) -> (vector<16xf32>, vector<16xi32>, vector<16xf32>, vector<16xi32>, vector<16xi32>)  : i32 {
          %add3A_417 = arith.addi %mul3A_67, %while3A_416 : vector<16xi32>
          %add3A_418 = arith.constant 8224 : i32
          %add3A_419 = vector.broadcast %add3A_418 : i32 to vector<16xi32>
          %add3A_420 = arith.addi %add3A_417, %add3A_419 : vector<16xi32>
          %lt3A_421 = arith.cmpi slt, %while3A_416, %min3A_326 : vector<16xi32>
          %gather3A_422 = tpu.vector_load_idx %arg11[%add3A_420] masked %lt3A_421 : memref<16448xi32, #tpu.memory_space<vmem>>[vector<16xi32>], vector<16xi32>, vector<16xi1>
          %gather3A_423 = tpu.vector_load_idx %arg10[%broadcast_in_dim3A_336, %gather3A_422] masked %lt3A_421 : memref<4x8192xf32, #tpu.memory_space<vmem>>[vector<16xi32>, vector<16xi32>], vector<16xf32>, vector<16xi1>
          %jit3A_424 = arith.constant 3.40282347E+38 : f32
          %broadcast_in_dim3A_425 = vector.broadcast %jit3A_424 : f32 to vector<16xf32>
          %select_n3A_426 = arith.select %lt3A_421, %gather3A_423, %broadcast_in_dim3A_425 : vector<16xi1>, vector<16xf32>
          %masked_sort3A = arith.constant dense<true> : vector<16xi1>
          %masked_sort3A_427, %masked_sort3A_428, %masked_sort3A_429 = tpu.sort %select_n3A_426, %gather3A_422 masked %masked_sort3A {descending = true} : (vector<16xf32>, vector<16xi32>, vector<16xi1>) -> (vector<16xi1>, vector<16xf32>, vector<16xi32>)
          %le3A = arith.cmpf ole, %while3A_414, %masked_sort3A_428 : vector<16xf32>
          %select_n3A_430 = arith.select %le3A, %while3A_414, %masked_sort3A_428 : vector<16xi1>, vector<16xf32>
          %select_n3A_431 = arith.select %le3A, %while3A_415, %masked_sort3A_429 : vector<16xi1>, vector<16xi32>
          %masked_sort3A_432 = arith.constant dense<true> : vector<16xi1>
          %masked_sort3A_433, %masked_sort3A_434, %masked_sort3A_435 = tpu.sort %select_n3A_430, %select_n3A_431 masked %masked_sort3A_432 {descending = true} : (vector<16xf32>, vector<16xi32>, vector<16xi1>) -> (vector<16xi1>, vector<16xf32>, vector<16xi32>)
          %le3A_436 = arith.cmpf ole, %while3A_412, %masked_sort3A_434 : vector<16xf32>
          %select_n3A_437 = arith.select %le3A_436, %while3A_412, %masked_sort3A_434 : vector<16xi1>, vector<16xf32>
          %select_n3A_438 = arith.select %le3A_436, %while3A_413, %masked_sort3A_435 : vector<16xi1>, vector<16xi32>
          %select_n3A_439 = arith.select %le3A_436, %masked_sort3A_434, %while3A_412 : vector<16xi1>, vector<16xf32>
          %select_n3A_440 = arith.select %le3A_436, %masked_sort3A_435, %while3A_413 : vector<16xi1>, vector<16xi32>
          %masked_sort3A_441 = arith.constant dense<true> : vector<16xi1>
          %masked_sort3A_442, %masked_sort3A_443, %masked_sort3A_444 = tpu.sort %select_n3A_437, %select_n3A_438 masked %masked_sort3A_441 : (vector<16xf32>, vector<16xi32>, vector<16xi1>) -> (vector<16xi1>, vector<16xf32>, vector<16xi32>)
          %masked_sort3A_445 = arith.constant dense<true> : vector<16xi1>
          %masked_sort3A_446, %masked_sort3A_447, %masked_sort3A_448 = tpu.sort %select_n3A_439, %select_n3A_440 masked %masked_sort3A_445 : (vector<16xf32>, vector<16xi32>, vector<16xi1>) -> (vector<16xi1>, vector<16xf32>, vector<16xi32>)
          %add3A_449 = arith.constant 1 : i32
          %add3A_450 = vector.broadcast %add3A_449 : i32 to vector<16xi32>
          %add3A_451 = arith.addi %while3A_416, %add3A_450 : vector<16xi32>
          scf.yield %masked_sort3A_443, %masked_sort3A_444, %masked_sort3A_447, %masked_sort3A_448, %add3A_451 : vector<16xf32>, vector<16xi32>, vector<16xf32>, vector<16xi32>, vector<16xi32>
        }
        %while3A_348 = arith.constant 1 : i32
        %while3A_349:5 = scf.for %while3A_411 = %while3A_345 to %while3A_341 step %while3A_348 iter_args(%while3A_412 = %while3A_347#0, %while3A_413 = %while3A_347#1, %while3A_414 = %while3A_347#2, %while3A_415 = %while3A_347#3, %while3A_416 = %while3A_347#4) -> (vector<16xf32>, vector<16xi32>, vector<16xf32>, vector<16xi32>, vector<16xi32>)  : i32 {
          %add3A_417 = arith.addi %mul3A_67, %while3A_416 : vector<16xi32>
          %add3A_418 = arith.constant 8224 : i32
          %add3A_419 = vector.broadcast %add3A_418 : i32 to vector<16xi32>
          %add3A_420 = arith.addi %add3A_417, %add3A_419 : vector<16xi32>
          %lt3A_421 = arith.cmpi slt, %while3A_416, %min3A_326 : vector<16xi32>
          %gather3A_422 = tpu.vector_load_idx %arg11[%add3A_420] masked %lt3A_421 : memref<16448xi32, #tpu.memory_space<vmem>>[vector<16xi32>], vector<16xi32>, vector<16xi1>
          %gather3A_423 = tpu.vector_load_idx %arg10[%broadcast_in_dim3A_336, %gather3A_422] masked %lt3A_421 : memref<4x8192xf32, #tpu.memory_space<vmem>>[vector<16xi32>, vector<16xi32>], vector<16xf32>, vector<16xi1>
          %jit3A_424 = arith.constant 3.40282347E+38 : f32
          %broadcast_in_dim3A_425 = vector.broadcast %jit3A_424 : f32 to vector<16xf32>
          %select_n3A_426 = arith.select %lt3A_421, %gather3A_423, %broadcast_in_dim3A_425 : vector<16xi1>, vector<16xf32>
          %masked_sort3A = arith.constant dense<true> : vector<16xi1>
          %masked_sort3A_427, %masked_sort3A_428, %masked_sort3A_429 = tpu.sort %select_n3A_426, %gather3A_422 masked %masked_sort3A {descending = true} : (vector<16xf32>, vector<16xi32>, vector<16xi1>) -> (vector<16xi1>, vector<16xf32>, vector<16xi32>)
          %le3A = arith.cmpf ole, %while3A_414, %masked_sort3A_428 : vector<16xf32>
          %select_n3A_430 = arith.select %le3A, %while3A_414, %masked_sort3A_428 : vector<16xi1>, vector<16xf32>
          %select_n3A_431 = arith.select %le3A, %while3A_415, %masked_sort3A_429 : vector<16xi1>, vector<16xi32>
          %masked_sort3A_432 = arith.constant dense<true> : vector<16xi1>
          %masked_sort3A_433, %masked_sort3A_434, %masked_sort3A_435 = tpu.sort %select_n3A_430, %select_n3A_431 masked %masked_sort3A_432 {descending = true} : (vector<16xf32>, vector<16xi32>, vector<16xi1>) -> (vector<16xi1>, vector<16xf32>, vector<16xi32>)
          %le3A_436 = arith.cmpf ole, %while3A_412, %masked_sort3A_434 : vector<16xf32>
          %select_n3A_437 = arith.select %le3A_436, %while3A_412, %masked_sort3A_434 : vector<16xi1>, vector<16xf32>
          %select_n3A_438 = arith.select %le3A_436, %while3A_413, %masked_sort3A_435 : vector<16xi1>, vector<16xi32>
          %select_n3A_439 = arith.select %le3A_436, %masked_sort3A_434, %while3A_412 : vector<16xi1>, vector<16xf32>
          %select_n3A_440 = arith.select %le3A_436, %masked_sort3A_435, %while3A_413 : vector<16xi1>, vector<16xi32>
          %masked_sort3A_441 = arith.constant dense<true> : vector<16xi1>
          %masked_sort3A_442, %masked_sort3A_443, %masked_sort3A_444 = tpu.sort %select_n3A_437, %select_n3A_438 masked %masked_sort3A_441 : (vector<16xf32>, vector<16xi32>, vector<16xi1>) -> (vector<16xi1>, vector<16xf32>, vector<16xi32>)
          %masked_sort3A_445 = arith.constant dense<true> : vector<16xi1>
          %masked_sort3A_446, %masked_sort3A_447, %masked_sort3A_448 = tpu.sort %select_n3A_439, %select_n3A_440 masked %masked_sort3A_445 : (vector<16xf32>, vector<16xi32>, vector<16xi1>) -> (vector<16xi1>, vector<16xf32>, vector<16xi32>)
          %add3A_449 = arith.constant 1 : i32
          %add3A_450 = vector.broadcast %add3A_449 : i32 to vector<16xi32>
          %add3A_451 = arith.addi %while3A_416, %add3A_450 : vector<16xi32>
          scf.yield %masked_sort3A_443, %masked_sort3A_444, %masked_sort3A_447, %masked_sort3A_448, %add3A_451 : vector<16xf32>, vector<16xi32>, vector<16xf32>, vector<16xi32>, vector<16xi32>
        }
        %mul3A_350 = arith.constant 16 : i32
        %mul3A_351 = arith.muli %scan3A_83, %mul3A_350 : i32
        %add3A_352 = arith.addi %mul3A_351, %mul3A_105 : i32
        %add3A_353 = arith.constant 2 : i32
        %add3A_354 = arith.addi %add3A_352, %add3A_353 : i32
        %mul3A_355 = arith.constant 32 : i32
        %mul3A_356 = arith.muli %add3A_354, %mul3A_355 : i32
        %add3A_357 = arith.constant 16 : i32
        %add3A_358 = arith.addi %mul3A_356, %add3A_357 : i32
        %swap3A_359 = arith.index_cast %mul3A_356 : i32 to index
        %swap3A_360 = tpu.vector_load %arg19[%swap3A_359] {strides = array<i32>} : memref<4096xi32, #tpu.memory_space<vmem>>, vector<16xi32>,
        tpu.vector_store %arg19[%swap3A_359], %while3A_349#1 {strides = array<i32>} : memref<4096xi32, #tpu.memory_space<vmem>>, vector<16xi32>,
        %swap3A_361 = arith.index_cast %add3A_358 : i32 to index
        %swap3A_362 = tpu.vector_load %arg19[%swap3A_361] {strides = array<i32>} : memref<4096xi32, #tpu.memory_space<vmem>>, vector<16xi32>,
        tpu.vector_store %arg19[%swap3A_361], %while3A_349#3 {strides = array<i32>} : memref<4096xi32, #tpu.memory_space<vmem>>, vector<16xi32>,
        %swap3A_363 = arith.index_cast %mul3A_356 : i32 to index
        %swap3A_364 = tpu.vector_load %arg20[%swap3A_363] {strides = array<i32>} : memref<4096xf32, #tpu.memory_space<vmem>>, vector<16xf32>,
        tpu.vector_store %arg20[%swap3A_363], %while3A_349#0 {strides = array<i32>} : memref<4096xf32, #tpu.memory_space<vmem>>, vector<16xf32>,
        %swap3A_365 = arith.index_cast %add3A_358 : i32 to index
        %swap3A_366 = tpu.vector_load %arg20[%swap3A_365] {strides = array<i32>} : memref<4096xf32, #tpu.memory_space<vmem>>, vector<16xf32>,
        tpu.vector_store %arg20[%swap3A_365], %while3A_349#2 {strides = array<i32>} : memref<4096xf32, #tpu.memory_space<vmem>>, vector<16xf32>,
        %min3A_367 = arith.constant 256 : i32
        %min3A_368 = vector.broadcast %min3A_367 : i32 to vector<16xi32>
        %min3A_369 = arith.minsi %parallel_loop3A_241#3, %min3A_368 : vector<16xi32>
        %reduce_max3A_370 = arith.constant true
        %reduce_max3A_371 = vector.broadcast %reduce_max3A_370 : i1 to vector<16xi1>
        %reduce_max3A_372 = arith.constant -2147483648 : i32
        %reduce_max3A_373 = vector.broadcast %reduce_max3A_372 : i32 to vector<16xi32>
        %reduce_max3A_374 = arith.xori %min3A_369, %reduce_max3A_373 : vector<16xi32>
        %reduce_max3A_375 = tpu.scan <max>, %reduce_max3A_374 masked %reduce_max3A_371 : vector<16xi32>, vector<16xi1> -> vector<16xi32>
        %reduce_max3A_376 = arith.xori %reduce_max3A_375, %reduce_max3A_373 : vector<16xi32>
        %reduce_max3A_377 = vector.extract %reduce_max3A_376[15] : i32 from vector<16xi32>
        %broadcast_in_dim3A_378 = arith.constant 3 : i32
        %broadcast_in_dim3A_379 = vector.broadcast %broadcast_in_dim3A_378 : i32 to vector<16xi32>
        %broadcast_in_dim3A_380 = arith.constant 0 : i32
        %broadcast_in_dim3A_381 = vector.broadcast %broadcast_in_dim3A_380 : i32 to vector<16xi32>
        %while3A_382 = arith.constant 0 : i32
        %while3A_383 = arith.subi %reduce_max3A_377, %while3A_382 : i32
        %while3A_384 = arith.addi %while3A_382, %while3A_383 : i32
        %while3A_385 = arith.constant 1 : i32
        %while3A_386 = arith.divsi %while3A_383, %while3A_385 : i32
        %while3A_387 = arith.muli %while3A_386, %while3A_385 : i32
        %while3A_388 = arith.addi %while3A_382, %while3A_387 : i32
        %while3A_389 = arith.constant 1 : i32
        %while3A_390:5 = scf.for %while3A_411 = %while3A_382 to %while3A_388 step %while3A_389 iter_args(%while3A_412 = %broadcast_in_dim3A_201, %while3A_413 = %broadcast_in_dim3A_381, %while3A_414 = %broadcast_in_dim3A_201, %while3A_415 = %broadcast_in_dim3A_381, %while3A_416 = %broadcast_in_dim3A_381) -> (vector<16xf32>, vector<16xi32>, vector<16xf32>, vector<16xi32>, vector<16xi32>)  : i32 {
          %add3A_417 = arith.addi %mul3A_67, %while3A_416 : vector<16xi32>
          %add3A_418 = arith.constant 12336 : i32
          %add3A_419 = vector.broadcast %add3A_418 : i32 to vector<16xi32>
          %add3A_420 = arith.addi %add3A_417, %add3A_419 : vector<16xi32>
          %lt3A_421 = arith.cmpi slt, %while3A_416, %min3A_369 : vector<16xi32>
          %gather3A_422 = tpu.vector_load_idx %arg11[%add3A_420] masked %lt3A_421 : memref<16448xi32, #tpu.memory_space<vmem>>[vector<16xi32>], vector<16xi32>, vector<16xi1>
          %gather3A_423 = tpu.vector_load_idx %arg10[%broadcast_in_dim3A_379, %gather3A_422] masked %lt3A_421 : memref<4x8192xf32, #tpu.memory_space<vmem>>[vector<16xi32>, vector<16xi32>], vector<16xf32>, vector<16xi1>
          %jit3A_424 = arith.constant 3.40282347E+38 : f32
          %broadcast_in_dim3A_425 = vector.broadcast %jit3A_424 : f32 to vector<16xf32>
          %select_n3A_426 = arith.select %lt3A_421, %gather3A_423, %broadcast_in_dim3A_425 : vector<16xi1>, vector<16xf32>
          %masked_sort3A = arith.constant dense<true> : vector<16xi1>
          %masked_sort3A_427, %masked_sort3A_428, %masked_sort3A_429 = tpu.sort %select_n3A_426, %gather3A_422 masked %masked_sort3A {descending = true} : (vector<16xf32>, vector<16xi32>, vector<16xi1>) -> (vector<16xi1>, vector<16xf32>, vector<16xi32>)
          %le3A = arith.cmpf ole, %while3A_414, %masked_sort3A_428 : vector<16xf32>
          %select_n3A_430 = arith.select %le3A, %while3A_414, %masked_sort3A_428 : vector<16xi1>, vector<16xf32>
          %select_n3A_431 = arith.select %le3A, %while3A_415, %masked_sort3A_429 : vector<16xi1>, vector<16xi32>
          %masked_sort3A_432 = arith.constant dense<true> : vector<16xi1>
          %masked_sort3A_433, %masked_sort3A_434, %masked_sort3A_435 = tpu.sort %select_n3A_430, %select_n3A_431 masked %masked_sort3A_432 {descending = true} : (vector<16xf32>, vector<16xi32>, vector<16xi1>) -> (vector<16xi1>, vector<16xf32>, vector<16xi32>)
          %le3A_436 = arith.cmpf ole, %while3A_412, %masked_sort3A_434 : vector<16xf32>
          %select_n3A_437 = arith.select %le3A_436, %while3A_412, %masked_sort3A_434 : vector<16xi1>, vector<16xf32>
          %select_n3A_438 = arith.select %le3A_436, %while3A_413, %masked_sort3A_435 : vector<16xi1>, vector<16xi32>
          %select_n3A_439 = arith.select %le3A_436, %masked_sort3A_434, %while3A_412 : vector<16xi1>, vector<16xf32>
          %select_n3A_440 = arith.select %le3A_436, %masked_sort3A_435, %while3A_413 : vector<16xi1>, vector<16xi32>
          %masked_sort3A_441 = arith.constant dense<true> : vector<16xi1>
          %masked_sort3A_442, %masked_sort3A_443, %masked_sort3A_444 = tpu.sort %select_n3A_437, %select_n3A_438 masked %masked_sort3A_441 : (vector<16xf32>, vector<16xi32>, vector<16xi1>) -> (vector<16xi1>, vector<16xf32>, vector<16xi32>)
          %masked_sort3A_445 = arith.constant dense<true> : vector<16xi1>
          %masked_sort3A_446, %masked_sort3A_447, %masked_sort3A_448 = tpu.sort %select_n3A_439, %select_n3A_440 masked %masked_sort3A_445 : (vector<16xf32>, vector<16xi32>, vector<16xi1>) -> (vector<16xi1>, vector<16xf32>, vector<16xi32>)
          %add3A_449 = arith.constant 1 : i32
          %add3A_450 = vector.broadcast %add3A_449 : i32 to vector<16xi32>
          %add3A_451 = arith.addi %while3A_416, %add3A_450 : vector<16xi32>
          scf.yield %masked_sort3A_443, %masked_sort3A_444, %masked_sort3A_447, %masked_sort3A_448, %add3A_451 : vector<16xf32>, vector<16xi32>, vector<16xf32>, vector<16xi32>, vector<16xi32>
        }
        %while3A_391 = arith.constant 1 : i32
        %while3A_392:5 = scf.for %while3A_411 = %while3A_388 to %while3A_384 step %while3A_391 iter_args(%while3A_412 = %while3A_390#0, %while3A_413 = %while3A_390#1, %while3A_414 = %while3A_390#2, %while3A_415 = %while3A_390#3, %while3A_416 = %while3A_390#4) -> (vector<16xf32>, vector<16xi32>, vector<16xf32>, vector<16xi32>, vector<16xi32>)  : i32 {
          %add3A_417 = arith.addi %mul3A_67, %while3A_416 : vector<16xi32>
          %add3A_418 = arith.constant 12336 : i32
          %add3A_419 = vector.broadcast %add3A_418 : i32 to vector<16xi32>
          %add3A_420 = arith.addi %add3A_417, %add3A_419 : vector<16xi32>
          %lt3A_421 = arith.cmpi slt, %while3A_416, %min3A_369 : vector<16xi32>
          %gather3A_422 = tpu.vector_load_idx %arg11[%add3A_420] masked %lt3A_421 : memref<16448xi32, #tpu.memory_space<vmem>>[vector<16xi32>], vector<16xi32>, vector<16xi1>
          %gather3A_423 = tpu.vector_load_idx %arg10[%broadcast_in_dim3A_379, %gather3A_422] masked %lt3A_421 : memref<4x8192xf32, #tpu.memory_space<vmem>>[vector<16xi32>, vector<16xi32>], vector<16xf32>, vector<16xi1>
          %jit3A_424 = arith.constant 3.40282347E+38 : f32
          %broadcast_in_dim3A_425 = vector.broadcast %jit3A_424 : f32 to vector<16xf32>
          %select_n3A_426 = arith.select %lt3A_421, %gather3A_423, %broadcast_in_dim3A_425 : vector<16xi1>, vector<16xf32>
          %masked_sort3A = arith.constant dense<true> : vector<16xi1>
          %masked_sort3A_427, %masked_sort3A_428, %masked_sort3A_429 = tpu.sort %select_n3A_426, %gather3A_422 masked %masked_sort3A {descending = true} : (vector<16xf32>, vector<16xi32>, vector<16xi1>) -> (vector<16xi1>, vector<16xf32>, vector<16xi32>)
          %le3A = arith.cmpf ole, %while3A_414, %masked_sort3A_428 : vector<16xf32>
          %select_n3A_430 = arith.select %le3A, %while3A_414, %masked_sort3A_428 : vector<16xi1>, vector<16xf32>
          %select_n3A_431 = arith.select %le3A, %while3A_415, %masked_sort3A_429 : vector<16xi1>, vector<16xi32>
          %masked_sort3A_432 = arith.constant dense<true> : vector<16xi1>
          %masked_sort3A_433, %masked_sort3A_434, %masked_sort3A_435 = tpu.sort %select_n3A_430, %select_n3A_431 masked %masked_sort3A_432 {descending = true} : (vector<16xf32>, vector<16xi32>, vector<16xi1>) -> (vector<16xi1>, vector<16xf32>, vector<16xi32>)
          %le3A_436 = arith.cmpf ole, %while3A_412, %masked_sort3A_434 : vector<16xf32>
          %select_n3A_437 = arith.select %le3A_436, %while3A_412, %masked_sort3A_434 : vector<16xi1>, vector<16xf32>
          %select_n3A_438 = arith.select %le3A_436, %while3A_413, %masked_sort3A_435 : vector<16xi1>, vector<16xi32>
          %select_n3A_439 = arith.select %le3A_436, %masked_sort3A_434, %while3A_412 : vector<16xi1>, vector<16xf32>
          %select_n3A_440 = arith.select %le3A_436, %masked_sort3A_435, %while3A_413 : vector<16xi1>, vector<16xi32>
          %masked_sort3A_441 = arith.constant dense<true> : vector<16xi1>
          %masked_sort3A_442, %masked_sort3A_443, %masked_sort3A_444 = tpu.sort %select_n3A_437, %select_n3A_438 masked %masked_sort3A_441 : (vector<16xf32>, vector<16xi32>, vector<16xi1>) -> (vector<16xi1>, vector<16xf32>, vector<16xi32>)
          %masked_sort3A_445 = arith.constant dense<true> : vector<16xi1>
          %masked_sort3A_446, %masked_sort3A_447, %masked_sort3A_448 = tpu.sort %select_n3A_439, %select_n3A_440 masked %masked_sort3A_445 : (vector<16xf32>, vector<16xi32>, vector<16xi1>) -> (vector<16xi1>, vector<16xf32>, vector<16xi32>)
          %add3A_449 = arith.constant 1 : i32
          %add3A_450 = vector.broadcast %add3A_449 : i32 to vector<16xi32>
          %add3A_451 = arith.addi %while3A_416, %add3A_450 : vector<16xi32>
          scf.yield %masked_sort3A_443, %masked_sort3A_444, %masked_sort3A_447, %masked_sort3A_448, %add3A_451 : vector<16xf32>, vector<16xi32>, vector<16xf32>, vector<16xi32>, vector<16xi32>
        }
        %mul3A_393 = arith.constant 16 : i32
        %mul3A_394 = arith.muli %scan3A_83, %mul3A_393 : i32
        %add3A_395 = arith.addi %mul3A_394, %mul3A_105 : i32
        %add3A_396 = arith.constant 3 : i32
        %add3A_397 = arith.addi %add3A_395, %add3A_396 : i32
        %mul3A_398 = arith.constant 32 : i32
        %mul3A_399 = arith.muli %add3A_397, %mul3A_398 : i32
        %add3A_400 = arith.constant 16 : i32
        %add3A_401 = arith.addi %mul3A_399, %add3A_400 : i32
        %swap3A_402 = arith.index_cast %mul3A_399 : i32 to index
        %swap3A_403 = tpu.vector_load %arg19[%swap3A_402] {strides = array<i32>} : memref<4096xi32, #tpu.memory_space<vmem>>, vector<16xi32>,
        tpu.vector_store %arg19[%swap3A_402], %while3A_392#1 {strides = array<i32>} : memref<4096xi32, #tpu.memory_space<vmem>>, vector<16xi32>,
        %swap3A_404 = arith.index_cast %add3A_401 : i32 to index
        %swap3A_405 = tpu.vector_load %arg19[%swap3A_404] {strides = array<i32>} : memref<4096xi32, #tpu.memory_space<vmem>>, vector<16xi32>,
        tpu.vector_store %arg19[%swap3A_404], %while3A_392#3 {strides = array<i32>} : memref<4096xi32, #tpu.memory_space<vmem>>, vector<16xi32>,
        %swap3A_406 = arith.index_cast %mul3A_399 : i32 to index
        %swap3A_407 = tpu.vector_load %arg20[%swap3A_406] {strides = array<i32>} : memref<4096xf32, #tpu.memory_space<vmem>>, vector<16xf32>,
        tpu.vector_store %arg20[%swap3A_406], %while3A_392#0 {strides = array<i32>} : memref<4096xf32, #tpu.memory_space<vmem>>, vector<16xf32>,
        %swap3A_408 = arith.index_cast %add3A_401 : i32 to index
        %swap3A_409 = tpu.vector_load %arg20[%swap3A_408] {strides = array<i32>} : memref<4096xf32, #tpu.memory_space<vmem>>, vector<16xf32>,
        tpu.vector_store %arg20[%swap3A_408], %while3A_392#2 {strides = array<i32>} : memref<4096xf32, #tpu.memory_space<vmem>>, vector<16xf32>,
        %scan3A_410 = arith.constant 0 : i32
        scf.yield %scan3A_410 : i32
      }
      %scan3A_100 = arith.constant 4 : i32
      %scan3A_101 = arith.constant 0 : i32
      scf.yield %scan3A_101 : i32
    }
    %scan3A_74 = arith.constant 8 : i32
    %mul3A_75 = arith.constant 128 : i32
    %mul3A_76 = arith.muli %add3A, %mul3A_75 : i32
    %mul3A_77 = arith.constant 32 : i32
    %mul3A_78 = arith.muli %mul3A_76, %mul3A_77 : i32
    "tpu.region"() ({
      %run_scoped3A_83 = tpu.sem_alloc : memref<!tpu.dma_semaphore, #tpu.memory_space<semaphore_mem>>
      %dma_start3A = tpu.memref_slice %arg4[%mul3A_78] : memref<131072xi32, #tpu.memory_space<hbm>> -> memref<4096xi32, #tpu.memory_space<hbm>>
      %dma_start3A_84 = tpu.memref_slice %arg4[%mul3A_78] : memref<131072xi32, #tpu.memory_space<hbm>> -> memref<4096xi32, #tpu.memory_space<hbm>>
      tpu.enqueue_dma source(%arg19 : memref<4096xi32, #tpu.memory_space<vmem>>) target(%dma_start3A_84 : memref<4096xi32, #tpu.memory_space<hbm>>) target_semaphore(%run_scoped3A_83 : memref<!tpu.dma_semaphore, #tpu.memory_space<semaphore_mem>>)
      %dma_wait3A = tpu.memref_slice %arg4[%mul3A_78] : memref<131072xi32, #tpu.memory_space<hbm>> -> memref<4096xi32, #tpu.memory_space<hbm>>
      %dma_wait3A_85 = tpu.memref_slice %arg4[%mul3A_78] : memref<131072xi32, #tpu.memory_space<hbm>> -> memref<4096xi32, #tpu.memory_space<hbm>>
      tpu.wait_dma2 semaphore(%run_scoped3A_83 : memref<!tpu.dma_semaphore, #tpu.memory_space<semaphore_mem>>) src(%arg19 : memref<4096xi32, #tpu.memory_space<vmem>>) dst(%dma_wait3A_85 : memref<4096xi32, #tpu.memory_space<hbm>>)
      tpu.yield
    }) : () -> ()
    %mul3A_79 = arith.constant 128 : i32
    %mul3A_80 = arith.muli %add3A, %mul3A_79 : i32
    %mul3A_81 = arith.constant 32 : i32
    %mul3A_82 = arith.muli %mul3A_80, %mul3A_81 : i32
    "tpu.region"() ({
      %run_scoped3A_83 = tpu.sem_alloc : memref<!tpu.dma_semaphore, #tpu.memory_space<semaphore_mem>>
      %dma_start3A = tpu.memref_slice %arg5[%mul3A_82] : memref<131072xf32, #tpu.memory_space<hbm>> -> memref<4096xf32, #tpu.memory_space<hbm>>
      %dma_start3A_84 = tpu.memref_slice %arg5[%mul3A_82] : memref<131072xf32, #tpu.memory_space<hbm>> -> memref<4096xf32, #tpu.memory_space<hbm>>
      tpu.enqueue_dma source(%arg20 : memref<4096xf32, #tpu.memory_space<vmem>>) target(%dma_start3A_84 : memref<4096xf32, #tpu.memory_space<hbm>>) target_semaphore(%run_scoped3A_83 : memref<!tpu.dma_semaphore, #tpu.memory_space<semaphore_mem>>)
      %dma_wait3A = tpu.memref_slice %arg5[%mul3A_82] : memref<131072xf32, #tpu.memory_space<hbm>> -> memref<4096xf32, #tpu.memory_space<hbm>>
      %dma_wait3A_85 = tpu.memref_slice %arg5[%mul3A_82] : memref<131072xf32, #tpu.memory_space<hbm>> -> memref<4096xf32, #tpu.memory_space<hbm>>
      tpu.wait_dma2 semaphore(%run_scoped3A_83 : memref<!tpu.dma_semaphore, #tpu.memory_space<semaphore_mem>>) src(%arg20 : memref<4096xf32, #tpu.memory_space<vmem>>) dst(%dma_wait3A_85 : memref<4096xf32, #tpu.memory_space<hbm>>)
      tpu.yield
    }) : () -> ()
    return
  }
}

</mosaic_0001>

<sc_bundles>
// kernel: kernel.3.cloned.1.call-start
scs
__scs_entry_jumppad:
0x0: {  	(pc) =	sbr.rel $0x88, $3  }
0x1: {  	(tag) =	ssettag $0x0;
	lr =	simm.s32 $0x1  }
0x2: {  	[smem:$0x3F9F] =	sst lr;
	_ =	strace $0xD0000000  }
0x3: {  	_ = 	snop  }
0x4: {  	_ = 	snop  }
0x5: {  	_ = 	snop  }
0x6: {  	_ = 	snop  }
0x7: {  	_ = 	snop  }
__scs_overlays_trampoline_lowered:
0x8: {  	[smem:$0x3FAE] =	sst s0  }
0x9: {  	[smem:$0x3FAF] =	sst s1  }
0xa: {  	[smem:$0x3FB0] =	sst s2  }
0xb: {  	[smem:$0x3FB1] =	sst s3  }
0xc: {  	[smem:$0x3FB2] =	sst s4  }
0xd: {  	[smem:$0x3FB3] =	sst s5  }
0xe: {  	[smem:$0x3FB4] =	sst s6  }
0xf: {  	[smem:$0x3FB5] =	sst s7  }
0x10: {  	[smem:$0x3FB6] =	sst s8  }
0x11: {  	[smem:$0x3FB7] =	sst s9;
	s0 =	simm.s32 @!p0 $0x0  }
0x12: {  	s1 =	sld [smem:$0x3F9D];
	s0 =	simm.s32 @p0 $0x1  }
0x13: {  	[smem:$0x3FB8] =	sst s0;
	s0 =	simm.s32 @!p1 $0x0  }
0x14: {  	s2 =	sld [smem:$0x3F9C];
	s0 =	simm.s32 @p1 $0x1  }
0x15: {  	[smem:$0x3FB9] =	sst s0;
	s0 =	simm.s32 @!p2 $0x0  }
0x16: {  	s3 =	sld [smem:$0x3FDB];
	s0 =	simm.s32 @p2 $0x1  }
0x17: {  	s4 =	simm.s32 $0x1BF5;
	[smem:$0x3FBB] =	sst s0  }
0x18: {  	s0 =	sld [smem:$0x3F9E];
	_ =	swait.ge [sflag:s4], $0x0  }
0x19: {  	s7 =	sld [smem:$0x3F9F]  }
0x1a: {  	s8 =	sadd.s32 $0xFFFFE003, lr  }
0x1b: {  	s9 =	sadd.s32 $0xFFFFFEF7, lr;
	s5 =	simm.s32 $0xFFFFFFFF;
	p2 =	slt.u32 s8, $0xFFFFF086  }
0x1c: {  	p1 =	slt.u32 s9, $0xF7A;
	s5 =	simm.s32 @!p2 $0x0  }
0x1d: {  	s5 =	simm.s32 @p1 $0x1;
	p0 =	seq.s32 s7, s2  }
0x1e: {  	s7 =	smul.u32 @!p0 $0xF7A, s2;
	p2 =	seq.s32 @!p0 s5, $0x0  }
0x1f: {  	s9 =	smul.u32 $0xF7A, s1;
	s8 =	simm.s32 @!p0 $0x1BF5;
	p2 =	por !p2, p0  }
0x20: {  	[sflag:s8] =	ssyncset.s32 @!p0 $0xFFFFF086;
	s6 =	sadd.s32 @!p0 s3, s7;
	s7 =	simm.s32 @!p0 $0x108  }
0x21: {  	s3 =	sadd.s32 s3, s9;
	s6 =	sadd.s32 @!p0 $0x88, s6;
	s7 =	simm.s32 @p2 $0x1082  }
0x22: {  	[simem:s7], [sflag:s8] =	dma.local @!p0 [hbm:s6], $0xF7A  }
0x23: {  	s9 =	sor.u32 $0xD0000000, s2;
	s6 =	simm.s32 $0x108;
	_ =	swait.ge @!p0 [sflag:s8], $0x0  }
0x24: {  	s3 =	sadd.s32 $0x88, s3;
	s6 =	simm.s32 @!p1 $0x1082;
	[sflag:s4] =	ssyncset.s32 $0xFFFFF086  }
0x25: {  	[simem:s6], [sflag:s4] =	dma.local [hbm:s3], $0xF7A  }
0x26: {  	[smem:$0x3F9F] =	sst s1;
	(tag) =	ssettag s2;
	_ =	strace s9  }
0x27: {  	s1 =	sld [smem:$0x3FAF]  }
0x28: {  	s2 =	sld [smem:$0x3FB0]  }
0x29: {  	s4 =	sld [smem:$0x3FB2]  }
0x2a: {  	p0 =	seq.s32 s5, $0x0;
	s5 =	sld [smem:$0x3FB3]  }
0x2b: {  	s6 =	sld [smem:$0x3FB4]  }
0x2c: {  	s7 =	sld [smem:$0x3FB5]  }
0x2d: {  	s3 =	simm.s32 $0x108;
	s8 =	sld [smem:$0x3FB6]  }
0x2e: {  	s3 =	simm.s32 @!p0 $0x1082;
	s9 =	sld [smem:$0x3FB7]  }
0x2f: {  	lr =	sadd.s32 s0, s3;
	s0 =	sld [smem:$0x3FAE]  }
0x30: {  	s3 =	sld [smem:$0x3FB1]  }
0x31: {  	[smem:$0x3FBA] =	sst s10  }
0x32: {  	s10 =	sld [smem:$0x3FB8];
	_ =	sdelay $0x3  }
0x33: {  	p0 =	seq.s32 s10, $0x1;
	s10 =	sld [smem:$0x3FBA];
	_ =	sdelay $0x3  }
0x34: {  	[smem:$0x3FBA] =	sst s10  }
0x35: {  	s10 =	sld [smem:$0x3FB9];
	_ =	sdelay $0x3  }
0x36: {  	p1 =	seq.s32 s10, $0x1;
	s10 =	sld [smem:$0x3FBA];
	_ =	sdelay $0x3  }
0x37: {  	[smem:$0x3FBA] =	sst s10  }
0x38: {  	s10 =	sld [smem:$0x3FBB]  }
0x39: {  	_ = 	snop;
	(pc) =	sbr.ind lr, $3  }
0x3a: {  	_ = 	snop  }
0x3b: {  	_ = 	snop  }
0x3c: {  	p2 =	seq.s32 s10, $0x1;
	s10 =	sld [smem:$0x3FBA]  }
0x3d: {  	_ =	shalt  }
0x3e: {  	_ =	shalt  }
0x3f: {  	_ =	shalt  }
0x40: {  	_ =	shalt  }
0x41: {  	_ =	shalt  }
0x42: {  	_ =	shalt  }
0x43: {  	_ =	shalt  }
0x44: {  	_ =	shalt  }
0x45: {  	_ =	shalt  }
0x46: {  	_ =	shalt  }
0x47: {  	_ =	shalt  }
0x48: {  	_ =	shalt  }
0x49: {  	_ =	shalt  }
0x4a: {  	_ =	shalt  }
0x4b: {  	_ =	shalt  }
0x4c: {  	_ =	shalt  }
0x4d: {  	_ =	shalt  }
0x4e: {  	_ =	shalt  }
0x4f: {  	_ =	shalt  }
0x50: {  	_ =	shalt  }
0x51: {  	_ =	shalt  }
0x52: {  	_ =	shalt  }
0x53: {  	_ =	shalt  }
0x54: {  	_ =	shalt  }
0x55: {  	_ =	shalt  }
0x56: {  	_ =	shalt  }
0x57: {  	_ =	shalt  }
0x58: {  	_ =	shalt  }
0x59: {  	_ =	shalt  }
0x5a: {  	_ =	shalt  }
0x5b: {  	_ =	shalt  }
0x5c: {  	_ =	shalt  }
0x5d: {  	_ =	shalt  }
0x5e: {  	_ =	shalt  }
0x5f: {  	_ =	shalt  }
0x60: {  	_ =	shalt  }
0x61: {  	_ =	shalt  }
0x62: {  	_ =	shalt  }
0x63: {  	_ =	shalt  }
0x64: {  	_ =	shalt  }
0x65: {  	_ =	shalt  }
0x66: {  	_ =	shalt  }
0x67: {  	_ =	shalt  }
0x68: {  	_ =	shalt  }
0x69: {  	_ =	shalt  }
0x6a: {  	_ =	shalt  }
0x6b: {  	_ =	shalt  }
0x6c: {  	_ =	shalt  }
0x6d: {  	_ =	shalt  }
0x6e: {  	_ =	shalt  }
0x6f: {  	_ =	shalt  }
0x70: {  	_ =	shalt  }
0x71: {  	_ =	shalt  }
0x72: {  	_ =	shalt  }
0x73: {  	_ =	shalt  }
0x74: {  	_ =	shalt  }
0x75: {  	_ =	shalt  }
0x76: {  	_ =	shalt  }
0x77: {  	_ =	shalt  }
0x78: {  	_ =	shalt  }
0x79: {  	_ =	shalt  }
0x7a: {  	_ =	shalt  }
0x7b: {  	_ =	shalt  }
0x7c: {  	_ =	shalt  }
0x7d: {  	_ =	shalt  }
0x7e: {  	_ =	shalt  }
0x7f: {  	_ =	shalt  }
0x80: {  	_ =	shalt  }
0x81: {  	_ =	shalt  }
0x82: {  	_ =	shalt  }
0x83: {  	_ =	shalt  }
0x84: {  	_ =	shalt  }
0x85: {  	_ =	shalt  }
0x86: {  	_ =	shalt  }
0x87: {  	_ =	shalt  }
.Lfunc_end0:
.L_simem_size_0:
called_computation_lowered:
.L_overlay_start_0:
0x88: {  	s2 =	sld [smem:$0x3FD9]  }
0x89: {  	s3 =	sld [smem:$0x3FFE];
	_ =	sdelay $0x1  }
0x8a: {  	s1 =	srdreg.scid  }
0x8b: {  	s0 =	sand.u32 $0x1, s1  }
0x8c: {  	s14 =	sshll.u32 s0, $0xA;
	s2 =	sadd.s32 s3, s2  }
0x8d: {  	s2 =	sadd.s32 s2, s14  }
0x8e: {  	[smem:$0x3FC6] =	sst s2  }
0x8f: {  	_ = 	snop  }
0x90: {  	s2 =	sld [smem:$0x3FD0];
	_ =	sdelay $0x2  }
0x91: {  	s15 =	simm.s32 $0xA;
	s4 =	simm.s32 $0x10  }
0x92: {  	[smem:s4], [sflag:s15] =	dma.local [hbm:s2], $0x1  }
0x93: {  	_ =	swait.eq [sflag:s15], $0x1  }
0x94: {  	[sflag:s15] =	ssyncset.done $0x0  }
0x95: {  	s16 =	sld [smem:$0x10];
	[sflag:s15] =	ssyncadd.s32 $0xFFFFFFFF  }
0x96: {  	s17 =	sld [smem:$0x11];
	(tm) =	ssettm $0x1  }
0x97: {  	s18 =	sld [smem:$0x3FFB];
	_ =	sdelay $0x3  }
0x98: {  	_ =	strace s18  }
0x99: {  	s4 =	sld [smem:$0x3FFC];
	_ =	sdelay $0x3  }
0x9a: {  	_ =	strace s4  }
0x9b: {  	s4 =	sld [smem:$0x3FFD];
	_ =	sdelay $0x3  }
0x9c: {  	_ =	strace s4  }
0x9d: {  	_ =	strace $0x8FFFFFFF  }
0x9e: {  	s19 =	sld [smem:$0x3FDB];
	_ =	sdelay $0x1  }
0x9f: {  	s5 =	simm.s32 $_scs_section_size  }
0xa0: {  	s6 =	simm.s32 $_size__tile_overlayer_lowered;
	s7 =	simm.s32 $_tile_overlayer_lowered  }
0xa1: {  	s22 =	simm.s32 $0x1BFF;
	s21 =	sshll.u32 s7, $0x1;
	s4 =	sadd.s32 s5, s19  }
0xa2: {  	s8 =	simm.s32 $0x0;
	s20 =	sshll.u32 s6, $0x1;
	s6 =	sadd.s32 s21, s4  }
0xa3: {  	[timem:s8], [sflag:s22] =	dma.local [hbm:s6], s20  }
0xa4: {  	_ =	swait.ge [sflag:s22], s20  }
0xa5: {  	s5 =	ssub.s32 $0x0, s20;
	[sflag:s22] =	ssyncset.done $0x0  }
0xa6: {  	[sflag:s22] =	ssyncadd.s32 s5;
	_ =	sdelay $0x1  }
0xa7: {  	s23 =	simm.s32 $0x1B8B  }
0xa8: {  	_ =	swait.ge [sflag:s23], $0x1  }
0xa9: {  	[sflag:s23] =	ssyncset.done $0x0  }
0xaa: {  	s25 =	simm.s32 $0x1B8E;
	s24 =	sld [smem:$0x3FFE];
	[sflag:s23] =	ssyncadd.s32 $0xFFFFFFFF  }
0xab: {  	s26 =	simm.s32 $execute0_lowered;
	[smem:$0x3FD2] =	sst s25  }
0xac: {  	s6 =	sshll.u32 s26, $0x1;
	_ =	strace $0x80000046;
	[dreg:$0x1] =	wrdreg $0xFFFFFFFF  }
0xad: {  	s28 =	simm.s32 $_size_execute0_lowered;
	s4 =	sadd.s32 s4, s6;
	[dreg:$0x0] =	wrdreg $0x0  }
0xae: {  	s6 =	sshll.u32 s28, $0x1;
	[dreg:$0x2] =	wrdreg s4  }
0xaf: {  	[dreg:$0x3] =	wrdreg s6  }
0xb0: {  	[dreg:$0x4] =	wrdreg $0xC0  }
0xb1: {  	_ =	task [dreg:s8], $0x5FFFF  }
0xb2: {  	[dreg:$0x1] =	wrdreg $0xFFFFFFFF  }
0xb3: {  	[dreg:$0x0] =	wrdreg $0x60  }
0xb4: {  	[dreg:$0x2] =	wrdreg s16  }
0xb5: {  	[dreg:$0x3] =	wrdreg s24  }
0xb6: {  	[dreg:$0x4] =	wrdreg s17  }
0xb7: {  	[dreg:$0x5] =	wrdreg $0x9  }
0xb8: {  	_ =	task.clear_ibuf [dreg:s8], $0x6FFFF;
	_ =	strace $0x90000046  }
0xb9: {  	s29 =	simm.s32 $0x9;
	_ =	strace $0x80000048  }
0xba: {  	_ =	swait.ge [sflag:s29], $0x1  }
0xbb: {  	[sflag:s29] =	ssyncadd.s32 $0xFFFFFFFF  }
0xbc: {  	_ =	strace $0x90000048  }
0xbd: {  	_ =	sfence  }
0xbe: {  	s30 =	sld [smem:$0x0];
	_ =	sdelay $0x2  }
0xbf: {  	s31 =	sshll.u32 s1, $0xD;
	s1 =	sshrl.u32 s1, $0x2  }
0xc0: {  	s3 =	sand.u32 $0x4000, s31;
	s1 =	sadd.s32 s1, s30  }
0xc1: {  	s0 =	sor.u32 s3, s0;
	s1 =	sshll.u32 s1, $0x11  }
0xc2: {  	s0 =	sor.u32 s1, s0  }
0xc3: {  	s0 =	sadd.s32 $0x8F2B, s0  }
0xc4: {  	[sflag:s0] =	ssyncadd.remote.s32 $0x1  }
0xc5: {  	_ =	sfence.sel $0xFFFF  }
0xc6: {  	[dreg:$0x0] =	wrdreg $0xFFFFFFFF;
	(pc) =	sbr.abs _section_cstart, $3  }
0xc7: {  	[dreg:$0x1] =	wrdreg $0xFFFFFFFF  }
0xc8: {  	_ =	task.clear_ibuf [dreg:s8], $0x2FFFF;
	_ =	strace $0x9FFFFFFF  }
0xc9: {  	(tm) =	ssettm $0x7FFFFFFF  }
tec
execute0_lowered:
.L_overlay_start_1:
0x0: {  	(tag) =	ssettag $0x1  }
0x1: {  	s1 =	srdreg.scid;
	s4 =	rddreg [dreg:$0x0]  }
0x2: {  	s0 =	stileid.u32;
	s7 =	rddreg [dreg:$0x1]  }
0x3: {  	s9 =	rddreg [dreg:$0x2];
	s2 =	simm.s32 $0x0;
	s14 =	simm.s32 $0x14280  }
0x4: {  	s15 =	simm.s32 $0x14300;
	s16 =	simm.s32 $0x10000;
	s17 =	simm.s32 $0x8000  }
0x5: {  	s18 =	simm.s32 $0x14400;
	s19 =	simm.s32 $0x15400;
	s20 =	simm.s32 $0x0  }
0x6: {  	s3 =	sand.u32 $0x1, s1;
	s26 =	sshll.u32 s0, $0x1;
	s6 =	sshrl.u32 s0, $0x3  }
0x7: {  	[smem:$0x7FF] =	sst s2;
	s5 =	sor.u32 s3, s26;
	s8 =	smul.u32 $0x1800, s6  }
0x8: {  	s6 =	smul.u32 $0x6000, s6;
	_ =	strace $0x80000047;
	s29 =	ssub.s32 $0x2, s3  }
0x9: {  	s1 =	sshll.u32 s5, $0x7;
	s28 =	sshll.u32 s5, $0x9;
	s31 =	sshrl.u32 s29, $0x1  }
0xa: {  	s10 =	sand.u32 $0x780, s1;
	s30 =	sshrl.u32 s6, $0x3;
	s11 =	sadd.s32 s28, s7  }
.Ltmp0:
0xb: {  	s12 =	ssub.s32 s29, s31;
	s9 =	sadd.s32 s9, s28;
	(pc) =	sbr.rel .LBB2_1-.Ltmp0, $4  }
0xc: {  	v0 =	vlaneseq.u32;
	s8 =	sor.u32 s8, s10;
	s3 =	sadd.s32 s4, s30;
	s10 =	sadd.s32 $0x1000, s11  }
0xd: {  	v1 =	vmul.u32 $0x101, v0;
	s11 =	smax.u32 s12, $0x1;
	s12 =	simm.s32 $0x1;
	s8 =	sshrl.u32 s8, $0x3  }
0xe: {  	v2 =	vimm.s32 $0xF;
	v6 =	vimm.s32 $0x0;
	s4 =	sadd.s32 $0x400, s3;
	s5 =	sadd.s32 $0x800, s3;
	s8 =	sadd.s32 s8, s7  }
0xf: {  	v3 =	vadd.s32 $0x1010, v1;
	v4 =	vadd.s32 $0x2020, v1;
	v5 =	vadd.s32 $0x3030, v1;
	s6 =	sadd.s32 $0xA00, s8;
	s7 =	sadd.s32 $0xB00, s8;
	s8 =	sadd.s32 $0xC00, s8  }
.LBB2_53:
0x10: {  	[hbm4b:s9+s2] =	stream.linear.scatter [tilespmem:s18], [sflag:$0x1], $0x1000, $0x38;
	[tilespmem:$0x16400] =	vst v63  }
0x11: {  	s20 =	sadd.s32 $0x1, s20;
	_ =	swait.ge [sflag:s12], $0x1000  }
0x12: {  	p0 =	sne.s32 s20, s11;
	[sflag:s12] =	ssyncset.done $0x0  }
.Ltmp1:
0x13: {  	[sflag:s12] =	ssyncadd.s32 $0xFFFFF000;
	(pc) =	sbr.rel @!p0 .LBB2_54-.Ltmp1, $4  }
0x14: {  	[hbm4b:s10+s2] =	stream.linear.scatter [tilespmem:s19], [sflag:$0x1], $0x1000, $0x38;
	[tilespmem:$0x16400] =	vst v63  }
0x15: {  	_ =	swait.ge [sflag:s12], $0x1000  }
0x16: {  	[sflag:s12] =	ssyncset.done $0x0  }
0x17: {  	[sflag:s12] =	ssyncadd.s32 $0xFFFFF000  }
.LBB2_1:
0x18: {  	s21 =	simm.s32 $0x10  }
0x19: {  	s24 =	sadd.s32 $0x0, s3;
	s22 =	simm.s32 $0x8200;
	s23 =	simm.s32 $0x8000  }
.LBB2_2:
0x1a: {  	[tilespmem:s23], [sflag:$0x1] =	stream.linear.gather [hbm4b:s24+s2], $0x80, $0x38;
	[tilespmem:$0x16400] =	vst v63  }
0x1b: {  	s24 =	smov.u32 s21;
	s23 =	smov.u32 s22;
	p0 =	sne.s32 s21, $0x3F0  }
.Ltmp2:
0x1c: {  	s21 =	sadd.s32 $0x10, s21;
	(pc) =	sbr.rel @p0 .LBB2_2-.Ltmp2, $2  }
0x1d: {  	_ =	sdelay $0x2  }
0x1e: {  	s22 =	sadd.s32 $0x200, s22;
	s24 =	sadd.s32 s24, s3  }
0x1f: {  	[tilespmem:s23], [sflag:$0x1] =	stream.linear.gather [hbm4b:s24+s2], $0x80, $0x38;
	[tilespmem:$0x16400] =	vst v63  }
0x20: {  	_ =	swait.ge [sflag:s12], $0x2000  }
0x21: {  	s21 =	simm.s32 $0x8080;
	s22 =	simm.s32 $0x10;
	[sflag:s12] =	ssyncset.done $0x0  }
0x22: {  	s24 =	sadd.s32 $0x0, s4;
	s23 =	simm.s32 $0x8280;
	[sflag:s12] =	ssyncadd.s32 $0xFFFFE000  }
.LBB2_4:
0x23: {  	[tilespmem:s21], [sflag:$0x1] =	stream.linear.gather [hbm4b:s24+s2], $0x80, $0x38;
	[tilespmem:$0x16400] =	vst v63  }
0x24: {  	s24 =	smov.u32 s22;
	s21 =	smov.u32 s23;
	p0 =	sne.s32 s22, $0x3F0  }
.Ltmp3:
0x25: {  	s22 =	sadd.s32 $0x10, s22;
	(pc) =	sbr.rel @p0 .LBB2_4-.Ltmp3, $2  }
0x26: {  	_ =	sdelay $0x2  }
0x27: {  	s23 =	sadd.s32 $0x200, s23;
	s24 =	sadd.s32 s24, s4  }
0x28: {  	[tilespmem:s21], [sflag:$0x1] =	stream.linear.gather [hbm4b:s24+s2], $0x80, $0x38;
	[tilespmem:$0x16400] =	vst v63  }
0x29: {  	_ =	swait.ge [sflag:s12], $0x2000  }
0x2a: {  	s21 =	simm.s32 $0x8100;
	s22 =	simm.s32 $0x10;
	[sflag:s12] =	ssyncset.done $0x0  }
0x2b: {  	s24 =	sadd.s32 $0x0, s5;
	s23 =	simm.s32 $0x8300;
	[sflag:s12] =	ssyncadd.s32 $0xFFFFE000  }
.LBB2_6:
0x2c: {  	[tilespmem:s21], [sflag:$0x1] =	stream.linear.gather [hbm4b:s24+s2], $0x80, $0x38;
	[tilespmem:$0x16400] =	vst v63  }
0x2d: {  	s24 =	smov.u32 s22;
	s21 =	smov.u32 s23;
	p0 =	sne.s32 s22, $0x3F0  }
.Ltmp4:
0x2e: {  	s22 =	sadd.s32 $0x10, s22;
	(pc) =	sbr.rel @p0 .LBB2_6-.Ltmp4, $2  }
0x2f: {  	_ =	sdelay $0x2  }
0x30: {  	s23 =	sadd.s32 $0x200, s23;
	s24 =	sadd.s32 s24, s5  }
0x31: {  	[tilespmem:s21], [sflag:$0x1] =	stream.linear.gather [hbm4b:s24+s2], $0x80, $0x38;
	[tilespmem:$0x16400] =	vst v63  }
0x32: {  	s21 =	simm.s32 $0x0;
	_ =	swait.ge [sflag:s12], $0x2000  }
0x33: {  	s22 =	sand.u32 $0x70, s21;
	s23 =	sand.u32 $0x7E00, s21;
	[sflag:s12] =	ssyncset.done $0x0  }
0x34: {  	s22 =	sor.u32 s22, s23;
	[sflag:s12] =	ssyncadd.s32 $0xFFFFE000  }
0x35: {  	v8 =	vld [tilespmem:s22+$0x8100]  }
0x36: {  	v9 =	vld [tilespmem:s22+$0x8000]  }
0x37: {  	v10 =	vld [tilespmem:s22+$0x8080];
	_ =	sdelay $0x3  }
0x38: {  	v7 =	vmul.f32 v8, v8;
	v11 =	vshrl.u32 v8, $0x10  }
0x39: {  	v12 =	vmul.f32 v9, v9;
	v13 =	vshrl.u32 v9, $0x10;
	v14 =	vmul.f32 v10, v10  }
0x3a: {  	v15 =	vshrl.u32 v10, $0x10;
	v11 =	vand.u32 $0x1, v11;
	v13 =	vand.u32 $0x1, v13  }
0x3b: {  	v63 =	vand.u32 $0x1, v15;
	v9 =	vadd.s32 v13, v9;
	v11 =	vadd.s32 v11, v8  }
0x3c: {  	v8 =	vadd.f32 v14, v12;
	v10 =	vadd.s32 v63, v10;
	v11 =	vadd.s32 $0x7FFF, v11  }
0x3d: {  	s23 =	simm.s32 $0x0;
	s22 =	simm.s32 $0x10;
	v9 =	vadd.s32 $0x7FFF, v9;
	v10 =	vadd.s32 $0x7FFF, v10;
	v11 =	vand.u32 $0xFFFF0000, v11  }
.LBB2_8:
0x3e: {  	p0 =	sne.s32 s22, $0x1FF0  }
0x3f: {  	v7 =	vadd.f32 v7, v8;
	v8 =	vand.u32 $0xFFFF0000, v9;
	v9 =	vand.u32 $0xFFFF0000, v10;
	[tilespmem:s23+$0x4000] =	vst v11;
	s21 =	sadd.s32 $0x40, s21;
	s24 =	smov.u32 s22;
	s22 =	sadd.s32 $0x10, s22  }
0x40: {  	[tilespmem:s23+$0x2000] =	vst v9  }
0x41: {  	s24 =	sand.u32 $0x70, s24;
	s25 =	sand.u32 $0x7E00, s21;
	[tilespmem:s23+$0x6000] =	vst v7  }
0x42: {  	s24 =	sor.u32 s24, s25;
	[tilespmem:s23+$0x0] =	vst v8  }
0x43: {  	v8 =	vld [tilespmem:s24+$0x8100]  }
0x44: {  	v9 =	vld [tilespmem:s24+$0x8000]  }
0x45: {  	v10 =	vld [tilespmem:s24+$0x8080];
	_ =	sdelay $0x2  }
0x46: {  	v7 =	vmul.f32 v8, v8;
	v11 =	vshrl.u32 v8, $0x10  }
.Ltmp5:
0x47: {  	v12 =	vmul.f32 v9, v9;
	v13 =	vshrl.u32 v9, $0x10;
	v11 =	vand.u32 $0x1, v11;
	(pc) =	sbr.rel @p0 .LBB2_8-.Ltmp5, $4  }
0x48: {  	v14 =	vmul.f32 v10, v10;
	v13 =	vand.u32 $0x1, v13;
	v15 =	vshrl.u32 v10, $0x10  }
0x49: {  	v11 =	vadd.s32 v11, v8;
	v9 =	vadd.s32 v13, v9;
	v13 =	vand.u32 $0x1, v15  }
0x4a: {  	v11 =	vadd.s32 $0x7FFF, v11;
	v8 =	vadd.f32 v14, v12;
	v10 =	vadd.s32 v13, v10  }
0x4b: {  	s23 =	sshra.s32 s21, $0x2;
	v9 =	vadd.s32 $0x7FFF, v9;
	v11 =	vand.u32 $0xFFFF0000, v11;
	v10 =	vadd.s32 $0x7FFF, v10  }
0x4c: {  	v7 =	vadd.f32 v7, v8;
	v8 =	vand.u32 $0xFFFF0000, v10;
	[tilespmem:s23+$0x4000] =	vst v11  }
0x4d: {  	[tilespmem:s23+$0x2000] =	vst v8  }
0x4e: {  	v8 =	vand.u32 $0xFFFF0000, v9;
	[tilespmem:s23+$0x6000] =	vst v7  }
0x4f: {  	s21 =	simm.s32 $0x0;
	s0 =	simm.s32 $0x14200;
	[tilespmem:s23+$0x0] =	vst v8  }
0x50: {  	[tilespmem:s0], [sflag:$0x1] =	stream.linear.gather [hbm4b:s6+s21], $0x80, $0x38;
	[tilespmem:$0x16400] =	vst v63  }
0x51: {  	_ =	swait.ge [sflag:s12], $0x80  }
0x52: {  	[sflag:s12] =	ssyncset.done $0x0  }
0x53: {  	[sflag:s12] =	ssyncadd.s32 $0xFFFFFF80  }
0x54: {  	[tilespmem:s14], [sflag:$0x1] =	stream.linear.gather [hbm4b:s7+s21], $0x80, $0x38;
	[tilespmem:$0x16400] =	vst v63  }
0x55: {  	_ =	swait.ge [sflag:s12], $0x80  }
0x56: {  	[sflag:s12] =	ssyncset.done $0x0  }
0x57: {  	[sflag:s12] =	ssyncadd.s32 $0xFFFFFF80  }
0x58: {  	[tilespmem:s15], [sflag:$0x1] =	stream.linear.gather [hbm4b:s8+s21], $0x80, $0x38;
	[tilespmem:$0x16400] =	vst v63  }
0x59: {  	_ =	swait.ge [sflag:s12], $0x80  }
0x5a: {  	[sflag:s12] =	ssyncset.done $0x0  }
0x5b: {  	s23 =	simm.s32 $0x0;
	[sflag:s12] =	ssyncadd.s32 $0xFFFFFF80  }
0x5c: {  	v7 =	vld [tilespmem:s23+$0x14300]  }
0x5d: {  	v8 =	vld [tilespmem:s23+$0x14200]  }
0x5e: {  	v9 =	vld [tilespmem:s23+$0x14280];
	_ =	sdelay $0x3  }
0x5f: {  	v10 =	vmul.f32 v7, v7;
	v11 =	vshrl.u32 v7, $0x10;
	v12 =	vmul.f32 v8, v8  }
0x60: {  	s22 =	simm.s32 $0x10;
	v13 =	vshrl.u32 v8, $0x10;
	v14 =	vshrl.u32 v9, $0x10;
	v11 =	vand.u32 $0x1, v11  }
0x61: {  	v15 =	vld [tilespmem:s22+$0x14300];
	v13 =	vand.u32 $0x1, v13;
	v14 =	vand.u32 $0x1, v14;
	v7 =	vadd.s32 v11, v7  }
0x62: {  	v11 =	vmul.f32 v9, v9;
	v8 =	vadd.s32 v13, v8;
	v13 =	vadd.s32 v14, v9;
	v9 =	vld [tilespmem:s22+$0x14280]  }
0x63: {  	v16 =	vadd.s32 $0x7FFF, v7;
	v7 =	vld [tilespmem:s22+$0x14200];
	v8 =	vadd.s32 $0x7FFF, v8  }
0x64: {  	v13 =	vadd.s32 $0x7FFF, v13;
	v14 =	vand.u32 $0xFFFF0000, v16;
	v11 =	vadd.f32 v11, v12  }
0x65: {  	v8 =	vand.u32 $0xFFFF0000, v8;
	v12 =	vand.u32 $0xFFFF0000, v13;
	v14 =	vadd.f32 v14, v14  }
0x66: {  	v13 =	vadd.f32 v8, v8;
	v63 =	vadd.f32 v12, v12  }
0x67: {  	v8 =	vmul.f32 v15, v15;
	v12 =	vshrl.u32 v15, $0x10;
	v11 =	vadd.f32 v10, v11;
	[tilespmem:s23+$0x14180] =	vst v14  }
0x68: {  	v17 =	vand.u32 $0x1, v12;
	[tilespmem:s23+$0x14080] =	vst v13;
	v13 =	vshrl.u32 v9, $0x10;
	v14 =	vshrl.u32 v7, $0x10  }
0x69: {  	s24 =	simm.s32 $0x20;
	s25 =	simm.s32 $0xC0;
	[tilespmem:s23+$0x14100] =	vst v63;
	v10 =	vmul.f32 v7, v7;
	v12 =	vand.u32 $0x1, v14;
	v14 =	vadd.s32 v17, v15  }
.LBB2_10:
0x6a: {  	p0 =	sne.s32 s25, $0x1C0;
	v15 =	vld [tilespmem:s24+$0x14300];
	v16 =	vmul.f32 v9, v9;
	v13 =	vand.u32 $0x1, v13;
	v14 =	vadd.s32 $0x7FFF, v14;
	[tilespmem:s23+$0x14380] =	vst v11;
	s23 =	smov.u32 s22;
	s22 =	smov.u32 s24  }
0x6b: {  	v11 =	vadd.s32 v12, v7;
	v7 =	vld [tilespmem:s22+$0x14200];
	v12 =	vadd.s32 v13, v9;
	v13 =	vand.u32 $0xFFFF0000, v14  }
0x6c: {  	v11 =	vadd.s32 $0x7FFF, v11;
	v9 =	vld [tilespmem:s22+$0x14280];
	v12 =	vadd.s32 $0x7FFF, v12;
	v13 =	vadd.f32 v13, v13  }
.Ltmp6:
0x6d: {  	v10 =	vadd.f32 v16, v10;
	v11 =	vand.u32 $0xFFFF0000, v11;
	v12 =	vand.u32 $0xFFFF0000, v12;
	(pc) =	sbr.rel @p0 .LBB2_10-.Ltmp6, $4  }
0x6e: {  	v14 =	vadd.f32 v11, v11;
	v16 =	vadd.f32 v12, v12;
	[tilespmem:s23+$0x14180] =	vst v13  }
0x6f: {  	v11 =	vadd.f32 v8, v10;
	v12 =	vshrl.u32 v15, $0x10;
	v8 =	vmul.f32 v15, v15  }
0x70: {  	v10 =	vmul.f32 v7, v7;
	v13 =	vshrl.u32 v7, $0x10;
	v17 =	vand.u32 $0x1, v12;
	[tilespmem:s23+$0x14080] =	vst v14  }
0x71: {  	s24 =	sshra.s32 s25, $0x2;
	s25 =	sadd.s32 $0x40, s25;
	v12 =	vand.u32 $0x1, v13;
	v13 =	vshrl.u32 v9, $0x10;
	v14 =	vadd.s32 v17, v15;
	[tilespmem:s23+$0x14100] =	vst v16  }
0x72: {  	v15 =	vld [tilespmem:s24+$0x14300];
	[tilespmem:s23+$0x14380] =	vst v11;
	v53 =	vmul.f32 v9, v9;
	v13 =	vand.u32 $0x1, v13;
	v14 =	vadd.s32 $0x7FFF, v14  }
0x73: {  	v7 =	vadd.s32 v12, v7;
	v16 =	vld [tilespmem:s24+$0x14200];
	v54 =	vadd.s32 v13, v9;
	v55 =	vand.u32 $0xFFFF0000, v14  }
0x74: {  	v56 =	vld [tilespmem:s24+$0x14280];
	v7 =	vadd.s32 $0x7FFF, v7;
	v9 =	vadd.s32 $0x7FFF, v54;
	v12 =	vadd.f32 v55, v55  }
0x75: {  	v10 =	vadd.f32 v53, v10;
	v7 =	vand.u32 $0xFFFF0000, v7;
	v9 =	vand.u32 $0xFFFF0000, v9  }
0x76: {  	v7 =	vadd.f32 v7, v7;
	v9 =	vadd.f32 v9, v9  }
0x77: {  	v8 =	vadd.f32 v8, v10;
	v57 =	vshrl.u32 v15, $0x10;
	v59 =	vmul.f32 v15, v15  }
0x78: {  	v58 =	vshrl.u32 v16, $0x10;
	v11 =	vand.u32 $0x1, v57;
	v60 =	vmul.f32 v16, v16  }
0x79: {  	v62 =	vmul.f32 v56, v56;
	v10 =	vand.u32 $0x1, v58;
	v11 =	vadd.s32 v11, v15  }
0x7a: {  	[tilespmem:s22+$0x14180] =	vst v12;
	v61 =	vshrl.u32 v56, $0x10;
	v10 =	vadd.s32 v10, v16;
	v11 =	vadd.s32 $0x7FFF, v11  }
0x7b: {  	[tilespmem:s22+$0x14380] =	vst v8;
	v16 =	vand.u32 $0x1, v61;
	v8 =	vadd.f32 v62, v60;
	v11 =	vand.u32 $0xFFFF0000, v11  }
0x7c: {  	[tilespmem:s22+$0x14080] =	vst v7;
	v7 =	vadd.s32 v16, v56;
	v10 =	vadd.s32 $0x7FFF, v10;
	v63 =	vadd.f32 v11, v11  }
.Ltmp7:
0x7d: {  	[tilespmem:s22+$0x14100] =	vst v9;
	v7 =	vadd.s32 $0x7FFF, v7;
	v10 =	vand.u32 $0xFFFF0000, v10;
	v8 =	vadd.f32 v59, v8;
	(pc) =	sbr.rel .LBB2_12-.Ltmp7, $4  }
0x7e: {  	v7 =	vand.u32 $0xFFFF0000, v7;
	v10 =	vadd.f32 v10, v10;
	[tilespmem:s24+$0x14180] =	vst v63  }
0x7f: {  	v7 =	vadd.f32 v7, v7;
	[tilespmem:s24+$0x14380] =	vst v8  }
0x80: {  	[tilespmem:s24+$0x14080] =	vst v10  }
0x81: {  	[tilespmem:s24+$0x14100] =	vst v7  }
.LBB2_52:
0x82: {  	s21 =	sadd.s32 $0x1, s21  }
0x83: {  	p0 =	sne.s32 s21, $0x8  }
.Ltmp8:
0x84: {  	_ = 	snop;
	(pc) =	sbr.rel @!p0 .LBB2_53-.Ltmp8, $1  }
0x85: {  	_ =	sdelay $0x3  }
.LBB2_12:
.Ltmp9:
0x86: {  	s22 =	sshll.u32 s21, $0x4;
	(pc) =	sbr.rel .LBB2_13-.Ltmp9, $4  }
0x87: {  	v7 =	vld [tilespmem:s22+$0x14080]  }
0x88: {  	v8 =	vld [tilespmem:s22+$0x14100]  }
0x89: {  	v9 =	vld [tilespmem:s22+$0x14180]  }
0x8a: {  	s23 =	simm.s32 $0x0;
	s24 =	simm.s32 $0x0;
	v10 =	vld [tilespmem:s22+$0x14380]  }
.LBB2_43:
0x8b: {  	v11 =	vimm.f32 $3.402823470e+38;
	v14 =	vimm.s32 $0x0  }
.LBB2_51:
0x8c: {  	s24 =	sadd.s32 $0x1, s24  }
0x8d: {  	p0 =	sne.s32 s24, $0x4  }
.Ltmp10:
0x8e: {  	_ = 	snop;
	(pc) =	sbr.rel @!p0 .LBB2_52-.Ltmp10, $4  }
0x8f: {  	[tilespmem:s25+$0x14460] =	vst v13  }
0x90: {  	[tilespmem:s25+$0x14470] =	vst v14  }
0x91: {  	[tilespmem:s25+$0x15460] =	vst v12  }
0x92: {  	[tilespmem:s25+$0x15470] =	vst v11  }
.LBB2_13:
0x93: {  	s25 =	sshll.u32 s24, $0x2  }
0x94: {  	s13 =	sshllo.u32 s24, $0x2;
	v11 =	vmov s25  }
0x95: {  	s26 =	sor.u32 $0x1, s25;
	v27 =	vmov s13;
	v16 =	vperm.xlane v7, v11  }
0x96: {  	s28 =	sor.u32 $0x2, s25;
	v25 =	vmov s26;
	v22 =	vperm.xlane v7, v27;
	v19 =	vperm.xlane v8, v11  }
0x97: {  	s0 =	simm.s32 $0x0;
	v26 =	vmov s28;
	v24 =	vperm.xlane v8, v27;
	v14 =	vperm.xlane v7, v25  }
0x98: {  	v28 =	vld [tilespmem:s0+$0x0];
	v13 =	vperm.xlane v7, v26;
	v21 =	vperm.xlane v8, v25  }
0x99: {  	v29 =	vld [tilespmem:s0+$0x2000];
	v18 =	vperm.xlane v8, v26;
	v20 =	vperm.xlane v9, v11  }
0x9a: {  	v17 =	vperm.xlane v9, v25;
	v15 =	vperm.xlane v9, v26  }
0x9b: {  	v30 =	vld [tilespmem:s0+$0x4000];
	v23 =	vperm.xlane v9, v27;
	v12 =	vperm.xlane v10, v11  }
0x9c: {  	s1 =	simm.s32 $0x10;
	v11 =	vperm.xlane v10, v27;
	v25 =	vperm.xlane v10, v25  }
0x9d: {  	v55 =	vld [tilespmem:s1+$0x0];
	v27 =	vmul.f32 v28, v16;
	v31 =	vmul.f32 v28, v22  }
0x9e: {  	v56 =	vld [tilespmem:s1+$0x2000];
	v32 =	vmul.f32 v29, v24;
	v33 =	vmul.f32 v28, v14  }
0x9f: {  	v34 =	vmul.f32 v29, v19;
	v35 =	vmul.f32 v29, v21  }
0xa0: {  	v37 =	vld [tilespmem:s1+$0x4000];
	v52 =	vmul.f32 v30, v23;
	v28 =	vmul.f32 v28, v13  }
0xa1: {  	v29 =	vmul.f32 v29, v18;
	v53 =	vmul.f32 v30, v20  }
0xa2: {  	v38 =	vmul.f32 v55, v16;
	v41 =	vmul.f32 v55, v14  }
0xa3: {  	v42 =	vmul.f32 v55, v22;
	v43 =	vmul.f32 v56, v24  }
0xa4: {  	v44 =	vmul.f32 v56, v19;
	v45 =	vmul.f32 v56, v21;
	v31 =	vadd.f32 v32, v31  }
0xa5: {  	v58 =	vmul.f32 v37, v23;
	v27 =	vadd.f32 v34, v27;
	v33 =	vadd.f32 v35, v33  }
0xa6: {  	v59 =	vmul.f32 v37, v20;
	v28 =	vadd.f32 v29, v28;
	v42 =	vadd.f32 v43, v42  }
0xa7: {  	v29 =	vmul.f32 v30, v15;
	v44 =	vadd.f32 v44, v38;
	v41 =	vadd.f32 v45, v41  }
0xa8: {  	v36 =	vld [tilespmem:s0+$0x6000];
	v60 =	vmul.f32 v37, v17;
	v31 =	vadd.f32 v52, v31;
	v27 =	vadd.f32 v53, v27  }
0xa9: {  	v54 =	vmul.f32 v30, v17;
	v28 =	vadd.f32 v29, v28;
	v42 =	vadd.f32 v58, v42  }
0xaa: {  	v26 =	vperm.xlane v10, v26;
	v44 =	vadd.f32 v59, v44;
	v41 =	vadd.f32 v60, v41  }
0xab: {  	v61 =	vmul.f32 v37, v15;
	v30 =	vsub.f32 v11, v31;
	v31 =	vadd.f32 v54, v33  }
0xac: {  	v34 =	vmul.f32 v56, v18;
	v27 =	vsub.f32 v12, v27;
	v28 =	vsub.f32 v26, v28  }
0xad: {  	v33 =	vmul.f32 v55, v13;
	v63 =	vsub.f32 v11, v42;
	v32 =	vadd.f32 v30, v36  }
0xae: {  	v38 =	vld [tilespmem:s1+$0x6000];
	v29 =	vsub.f32 v25, v31;
	v30 =	vimm.f32 $3.402823470e+38;
	v57 =	vadd.f32 v27, v36  }
0xaf: {  	s29 =	sand.u32 $0x7E00, s23;
	s28 =	sand.u32 $0x70, s23;
	v43 =	vsub.f32 v12, v44;
	v34 =	vadd.f32 v34, v33;
	v27 =	vmax.f32 v30, v32  }
0xb0: {  	s28 =	sor.u32 s28, s29;
	v39 =	vadd.f32 v29, v36;
	v36 =	vadd.f32 v28, v36;
	v29 =	vmin.f32 v30, v57  }
0xb1: {  	s30 =	simm.s32 $0x80;
	s13 =	simm.s32 $0x10;
	s29 =	simm.s32 $0x40;
	v40 =	vmax.f32 v30, v57;
	[tilespmem:s28+$0x8000] =	vst v57;
	v42 =	vadd.f32 v61, v34;
	v31 =	vmin.f32 v27, v30  }
0xb2: {  	s0 =	sand.u32 $0x7E00, s30;
	s31 =	sand.u32 $0x7E00, s29;
	s29 =	simm.s32 $0x20;
	[tilespmem:s28+$0x8180] =	vst v32;
	v33 =	vmin.f32 v40, v30;
	v27 =	vmin.f32 v30, v39;
	v28 =	vmin.f32 v30, v36  }
0xb3: {  	s26 =	sand.u32 $0x70, s13;
	s1 =	sand.u32 $0x70, s29;
	s29 =	simm.s32 $0x20;
	v46 =	vmax.f32 v30, v39;
	v62 =	vmax.f32 v30, v36;
	[tilespmem:s28+$0x8080] =	vst v39;
	v39 =	vadd.f32 v63, v38  }
0xb4: {  	s26 =	sor.u32 s26, s31;
	s31 =	simm.s32 $0x30;
	v40 =	vld [tilespmem:s29+$0x0];
	[tilespmem:s28+$0x8100] =	vst v36;
	s28 =	sor.u32 s1, s0;
	v34 =	vmin.f32 v46, v30;
	v35 =	vmin.f32 v62, v30;
	v37 =	vmovc v27;
	v36 =	vmov v28  }
.LBB2_14:
0xb5: {  	p0 =	sne.s32 s31, $0x1FF0;
	v44 =	vld [tilespmem:s29+$0x2000];
	v41 =	vsub.f32 v25, v41;
	v42 =	vsub.f32 v26, v42;
	v30 =	vmin.f32 v30, v32  }
0xb6: {  	v43 =	vadd.f32 v43, v38;
	[tilespmem:s26+$0x8180] =	vst v39;
	v45 =	vmax.f32 v30, v39;
	v32 =	vmov v39  }
0xb7: {  	v39 =	vld [tilespmem:s29+$0x4000];
	v41 =	vadd.f32 v41, v38;
	v42 =	vadd.f32 v42, v38;
	v31 =	vmin.f32 v45, v31  }
0xb8: {  	[tilespmem:s26+$0x8000] =	vst v43;
	v45 =	vmax.f32 v29, v43;
	v29 =	vmin.f32 v29, v43  }
0xb9: {  	v43 =	vmul.f32 v40, v16;
	v46 =	vmul.f32 v40, v14;
	[tilespmem:s26+$0x8080] =	vst v41;
	v27 =	vmin.f32 v27, v41  }
0xba: {  	v38 =	vmul.f32 v40, v22;
	v28 =	vmin.f32 v28, v42;
	v47 =	vmul.f32 v44, v24;
	[tilespmem:s26+$0x8100] =	vst v42;
	s26 =	smov.u32 s28  }
0xbb: {  	v50 =	vmax.f32 v37, v41;
	v48 =	vmul.f32 v44, v19;
	v49 =	vmul.f32 v44, v21;
	v37 =	vmovc v27  }
0xbc: {  	v40 =	vmul.f32 v40, v13;
	v41 =	vadd.f32 v47, v38;
	v47 =	vmul.f32 v39, v23  }
0xbd: {  	v44 =	vmul.f32 v44, v18;
	v43 =	vadd.f32 v48, v43;
	v46 =	vadd.f32 v49, v46;
	v38 =	vld [tilespmem:s29+$0x6000]  }
.Ltmp11:
0xbe: {  	v48 =	vmul.f32 v39, v20;
	v49 =	vmul.f32 v39, v17;
	v41 =	vadd.f32 v47, v41;
	(pc) =	sbr.rel @p0 .LBB2_14-.Ltmp11, $4  }
0xbf: {  	v40 =	vadd.f32 v44, v40;
	v39 =	vmul.f32 v39, v15;
	v44 =	vmax.f32 v36, v42;
	v36 =	vmovc v28  }
0xc0: {  	s30 =	sadd.s32 $0x40, s30;
	v33 =	vmin.f32 v45, v33;
	v43 =	vadd.f32 v48, v43;
	v47 =	vsub.f32 v11, v41  }
0xc1: {  	s0 =	sand.u32 $0x70, s31;
	s1 =	sand.u32 $0x7E00, s30;
	v34 =	vmin.f32 v50, v34;
	s29 =	sshra.s32 s30, $0x2;
	v42 =	vadd.f32 v39, v40;
	v41 =	vadd.f32 v49, v46  }
0xc2: {  	s31 =	sadd.s32 $0x10, s31;
	s28 =	sor.u32 s0, s1;
	v35 =	vmin.f32 v44, v35;
	v43 =	vsub.f32 v12, v43;
	v40 =	vld [tilespmem:s29+$0x0];
	v39 =	vadd.f32 v47, v38  }
0xc3: {  	_ = 	snop  }
0xc4: {  	v44 =	vld [tilespmem:s29+$0x2000]  }
0xc5: {  	v41 =	vsub.f32 v25, v41  }
0xc6: {  	v42 =	vsub.f32 v26, v42;
	v30 =	vmin.f32 v30, v32;
	v45 =	vld [tilespmem:s29+$0x4000];
	v60 =	vadd.f32 v43, v38  }
0xc7: {  	v61 =	vmax.f32 v30, v39;
	v16 =	vmul.f32 v40, v16;
	v22 =	vmul.f32 v40, v22  }
0xc8: {  	v41 =	vadd.f32 v41, v38;
	v14 =	vmul.f32 v40, v14;
	v13 =	vmul.f32 v40, v13  }
0xc9: {  	v62 =	vadd.f32 v42, v38;
	v24 =	vmul.f32 v44, v24;
	v19 =	vmul.f32 v44, v19  }
0xca: {  	v63 =	vmin.f32 v29, v60;
	v21 =	vmul.f32 v44, v21;
	v18 =	vmul.f32 v44, v18  }
0xcb: {  	v17 =	vmul.f32 v45, v17;
	v16 =	vadd.f32 v19, v16;
	v19 =	vmul.f32 v45, v20  }
0xcc: {  	v22 =	vadd.f32 v24, v22;
	v20 =	vmul.f32 v45, v23;
	v23 =	vld [tilespmem:s29+$0x6000];
	v14 =	vadd.f32 v21, v14  }
0xcd: {  	v15 =	vmul.f32 v45, v15;
	v13 =	vadd.f32 v18, v13;
	v16 =	vadd.f32 v19, v16  }
0xce: {  	v29 =	vmax.f32 v29, v60;
	v19 =	vadd.f32 v20, v22;
	v14 =	vadd.f32 v17, v14  }
0xcf: {  	v18 =	vmin.f32 v27, v41;
	v13 =	vadd.f32 v15, v13;
	v12 =	vsub.f32 v12, v16  }
0xd0: {  	v17 =	vmin.f32 v28, v62;
	v15 =	vmax.f32 v37, v41;
	v14 =	vsub.f32 v25, v14  }
0xd1: {  	[tilespmem:s26+$0x8180] =	vst v39;
	v15 =	vmin.f32 v15, v34;
	v13 =	vsub.f32 v26, v13;
	v12 =	vadd.f32 v12, v23  }
0xd2: {  	[tilespmem:s26+$0x8000] =	vst v60;
	v11 =	vsub.f32 v11, v19;
	v16 =	vmax.f32 v36, v62;
	v14 =	vadd.f32 v14, v23  }
0xd3: {  	[tilespmem:s26+$0x8080] =	vst v41;
	v19 =	vmin.f32 v29, v33;
	v13 =	vadd.f32 v13, v23;
	v20 =	vmax.f32 v63, v12  }
0xd4: {  	[tilespmem:s26+$0x8100] =	vst v62;
	v11 =	vadd.f32 v11, v23;
	v18 =	vmax.f32 v18, v14;
	v19 =	vmin.f32 v20, v19  }
0xd5: {  	v16 =	vmin.f32 v16, v35;
	v17 =	vmax.f32 v17, v13;
	v15 =	vmin.f32 v18, v15;
	(xrf0) =	vmax.scan.msk.f32 $0xffff, v19  }
0xd6: {  	[tilespmem:s28+$0x8180] =	vst v11;
	v20 =	vmin.f32 v30, v39;
	v16 =	vmin.f32 v17, v16;
	(xrf0) =	vmax.scan.msk.f32 $0xffff, v15  }
0xd7: {  	s0 =	simm.s32 $0x0;
	v31 =	vmin.f32 v61, v31;
	[tilespmem:s28+$0x8000] =	vst v12;
	v11 =	vmax.f32 v20, v11;
	(xrf0) =	vmax.scan.msk.f32 $0xffff, v16  }
0xd8: {  	s1 =	sand.u32 $0x7E00, s0;
	s13 =	sand.u32 $0x70, s0;
	[tilespmem:s28+$0x8080] =	vst v14;
	v11 =	vmin.f32 v11, v31  }
0xd9: {  	s1 =	sor.u32 s13, s1;
	[tilespmem:s28+$0x8100] =	vst v13;
	(xrf0) =	vmax.scan.msk.f32 $0xffff, v11  }
0xda: {  	v14 =	vld [tilespmem:s1+$0x8000]  }
0xdb: {  	v15 =	vld [tilespmem:s1+$0x8080];
	v11, _, _ =	vpop (xrf0)  }
0xdc: {  	v17 =	vld [tilespmem:s1+$0x8100];
	v12, _, _ =	vpop (xrf0)  }
0xdd: {  	v16 =	vperm.xlane v11, v2;
	v18, _, _ =	vpop (xrf0)  }
0xde: {  	v20 =	vimm.s32 $0x0;
	v13 =	vperm.xlane v12, v2;
	v12 =	vperm.xlane v18, v2  }
0xdf: {  	s31 =	simm.s32 $0x40;
	s28 =	simm.s32 $0x10;
	v19 =	vld [tilespmem:s1+$0x8180];
	v11, _, _ =	vpop (xrf0);
	v18 =	vand.u32 $0xFF, v20;
	vm1 =	vle.f32 v14, v16;
	v14 =	vor.u32 s0, v0  }
0xe0: {  	s13 =	sand.u32 $0x7E00, s31;
	s26 =	sand.u32 $0x70, s28;
	v11 =	vperm.xlane v11, v2;
	v21 =	vadd.s32 v1, v18;
	vm2 =	vle.f32 v15, v13  }
0xe1: {  	s0 =	sor.u32 s26, s13;
	v22 =	vadd.s32 v3, v18;
	v15 =	vsel vm1, $0x1, v6;
	vm3 =	vle.f32 v17, v12  }
0xe2: {  	v28 =	vld [tilespmem:s0+$0x8000];
	v29 =	vadd.s32 v4, v18;
	v17 =	vadd.s32 v5, v18;
	v23 =	vadd.s32 v15, v20  }
0xe3: {  	v18 =	vsel vm2, $0x1, v6;
	v15 =	vand.u32 $0xFF, v23;
	v24 =	vsel vm3, $0x1, v6  }
0xe4: {  	v25 =	vld [tilespmem:s0+$0x8080];
	vm0 =	vle.f32 v19, v11;
	v19 =	vadd.s32 v18, v20;
	v15 =	vadd.s32 v1, v15  }
0xe5: {  	v26 =	vld [tilespmem:s0+$0x8100];
	v30 =	vand.u32 $0xFF, v19;
	v18 =	vadd.s32 v24, v20;
	v24 =	vsel vm0, $0x1, v6;
	[tilespmem:v21+s16+$0x0] =	vst.idx.msk vm1, v14  }
0xe6: {  	s30 =	simm.s32 $0x30;
	s31 =	simm.s32 $0x80;
	v20 =	vadd.s32 v24, v20;
	v27 =	vand.u32 $0xFF, v18;
	v21 =	vor.u32 s28, v0;
	[tilespmem:v22+s16+$0x0] =	vst.idx.msk vm2, v14  }
0xe7: {  	s29 =	simm.s32 $0xC0;
	s26 =	simm.s32 $0x20;
	v24 =	vld [tilespmem:s0+$0x8180];
	s28 =	sand.u32 $0x7E00, s31;
	vm1 =	vle.f32 v28, v16;
	v28 =	vand.u32 $0xFF, v20;
	v22 =	vadd.s32 v3, v30;
	[tilespmem:v29+s16+$0x0] =	vst.idx.msk vm3, v14  }
.LBB2_16:
0xe8: {  	s0 =	sand.u32 $0x7E00, s29  }
0xe9: {  	s1 =	sand.u32 $0x70, s26;
	vm2 =	vle.f32 v25, v13;
	v25 =	vadd.s32 v5, v28;
	v28 =	vsel vm1, $0x1, v6;
	s31 =	smov.u32 s30;
	s13 =	sadd.s32 $0x10, s30  }
0xea: {  	p0 =	sne.s32 s30, $0x1FF0;
	s1 =	sor.u32 s1, s28;
	vm3 =	vle.f32 v26, v12;
	v23 =	vadd.s32 v28, v23;
	v26 =	vsel vm2, $0x1, v6;
	[tilespmem:v17+s16+$0x0] =	vst.idx.msk vm0, v14;
	s28 =	smov.u32 s0  }
0xeb: {  	v30 =	vadd.s32 v4, v27;
	v17 =	vmovc v25;
	v14 =	vmovc v21;
	v28 =	vld [tilespmem:s1+$0x8000];
	v29 =	vand.u32 $0xFF, v23;
	v27 =	vsel vm3, $0x1, v6  }
.Ltmp12:
0xec: {  	vm0 =	vle.f32 v24, v11;
	v19 =	vadd.s32 v26, v19;
	v25 =	vld [tilespmem:s1+$0x8080];
	v21 =	vadd.s32 v1, v29;
	(pc) =	sbr.rel @p0 .LBB2_16-.Ltmp12, $4  }
0xed: {  	v29 =	vand.u32 $0xFF, v19;
	v18 =	vadd.s32 v27, v18;
	v27 =	vsel vm0, $0x1, v6;
	v26 =	vld [tilespmem:s1+$0x8100]  }
0xee: {  	v20 =	vadd.s32 v27, v20;
	v24 =	vld [tilespmem:s1+$0x8180];
	[tilespmem:v15+s16+$0x0] =	vst.idx.msk vm1, v14;
	v15 =	vmov v21  }
0xef: {  	v27 =	vand.u32 $0xFF, v18;
	v21 =	vor.u32 s26, v0;
	s26 =	smov.u32 s31;
	[tilespmem:v22+s16+$0x0] =	vst.idx.msk vm2, v14  }
0xf0: {  	s29 =	sadd.s32 $0x40, s29;
	s30 =	smov.u32 s13;
	v22 =	vadd.s32 v3, v29;
	vm1 =	vle.f32 v28, v16;
	v28 =	vand.u32 $0xFF, v20;
	[tilespmem:v30+s16+$0x0] =	vst.idx.msk vm3, v14  }
0xf1: {  	s0 =	sand.u32 $0x70, s26  }
0xf2: {  	s0 =	sor.u32 s0, s28  }
0xf3: {  	v29 =	vld [tilespmem:s0+$0x8000];
	_ =	sdelay $0x4  }
0xf4: {  	v30 =	vsel vm1, $0x1, v6;
	vm2 =	vle.f32 v29, v16  }
0xf5: {  	v23 =	vadd.s32 v30, v23;
	v16 =	vsel vm2, $0x1, v6  }
0xf6: {  	v16 =	vadd.s32 v16, v23  }
0xf7: {  	vm3 =	vlt.s32 v16, $0x100  }
0xf8: {  	v16 =	vnsel vm3, $0x100, v16  }
0xf9: {  	v57 =	vxor.u32 $0x80000000, v16  }
0xfa: {  	(xrf0) =	vmax.scan.msk.u32 $0xffff, v57;
	_ =	sdelay $0x5  }
0xfb: {  	v29, _, _ =	vpop (xrf0)  }
0xfc: {  	(v2sf) =	vpush v29, $0xF;
	_ =	sdelay $0x7  }
0xfd: {  	vm12 =	vle.f32 v25, v13;
	v58 =	vld [tilespmem:s0+$0x8080]  }
0xfe: {  	vm4 =	vle.f32 v26, v12;
	v60 =	vld [tilespmem:s0+$0x8100]  }
0xff: {  	v27 =	vadd.s32 v4, v27;
	v61 =	vsel vm12, $0x1, v6;
	v62 =	vld [tilespmem:s0+$0x8180];
	vm5 =	vle.f32 v24, v11  }
0x100: {  	v59 =	vadd.s32 v5, v28;
	v19 =	vadd.s32 v61, v19;
	v63 =	vsel vm4, $0x1, v6  }
0x101: {  	[tilespmem:v17+s16+$0x0] =	vst.idx.msk vm0, v14;
	v17 =	vand.u32 $0xFF, v19;
	v18 =	vadd.s32 v63, v18  }
0x102: {  	[tilespmem:v15+s16+$0x0] =	vst.idx.msk vm1, v21;
	v17 =	vadd.s32 v3, v17;
	vm13 =	vle.f32 v58, v13;
	v23 =	vand.u32 $0xFF, v23  }
0x103: {  	[tilespmem:v22+s16+$0x0] =	vst.idx.msk vm12, v21;
	vm14 =	vle.f32 v60, v12;
	v14 =	vadd.s32 v1, v23;
	v23 =	vsel vm5, $0x1, v6  }
0x104: {  	v13 =	vand.u32 $0xFF, v18;
	vm15 =	vle.f32 v62, v11;
	[tilespmem:v27+s16+$0x0] =	vst.idx.msk vm4, v21;
	v20 =	vadd.s32 v23, v20;
	s31 =	spop (v2sf)  }
0x105: {  	v13 =	vadd.s32 v4, v13;
	[tilespmem:v59+s16+$0x0] =	vst.idx.msk vm5, v21;
	v21 =	vor.u32 s26, v0;
	v12 =	vand.u32 $0xFF, v20;
	s26 =	sxor.u32 $0x80000000, s31  }
0x106: {  	v22 =	vadd.s32 v5, v12;
	p0 =	slt.s32 s26, $0x1  }
.Ltmp13:
0x107: {  	v11 =	vsel vm13, $0x1, v6;
	(pc) =	sbr.rel @p0 .LBB2_25-.Ltmp13, $4  }
0x108: {  	v15 =	vadd.s32 v11, v19;
	v11 =	vsel vm15, $0x1, v6;
	[tilespmem:v14+s16+$0x0] =	vst.idx.msk vm2, v21  }
0x109: {  	v19 =	vimm.s32 $0x0;
	v11 =	vadd.s32 v11, v20;
	v12 =	vsel vm14, $0x1, v6;
	[tilespmem:v17+s16+$0x0] =	vst.idx.msk vm13, v21  }
0x10a: {  	v20 =	vimm.s32 $0x0;
	v12 =	vadd.s32 v12, v18;
	v18 =	vimm.f32 $3.402823470e+38;
	[tilespmem:v13+s16+$0x0] =	vst.idx.msk vm14, v21  }
0x10b: {  	v14 =	vimm.s32 $0x0;
	v17 =	vimm.f32 $3.402823470e+38;
	v13 =	vimm.f32 $3.402823470e+38;
	[tilespmem:v22+s16+$0x0] =	vst.idx.msk vm15, v21  }
0x10c: {  	p2 =	sne.s32 s26, $0x1  }
.Ltmp14:
0x10d: {  	_ = 	snop;
	(pc) =	sbr.rel @!p2 .LBB2_19-.Ltmp14, $2  }
0x10e: {  	_ =	sdelay $0x2  }
0x10f: {  	vm0 =	vlt.s32 v14, v16;
	v18 =	vadd.s32 v1, v14;
	s26 =	sadd.s32 $0xFFFFFFFF, s26;
	p0 =	por $0x0, $0x0;
	p1 =	por $0x0, $0x0  }
0x110: {  	_ =	sdelay $0x4  }
0x111: {  	v18 =	vld.idx.msk [tilespmem:v18+s16+$0x0], vm0;
	_ =	sdelay $0x4  }
0x112: {  	v17 =	vshll.u32 v18, $0x2  }
0x113: {  	v19 =	vand.u32 $0x7F, v18;
	v17 =	vand.u32 $0xFFFFFE00, v17  }
0x114: {  	v17 =	vor.u32 v19, v17;
	_ =	sdelay $0x4  }
0x115: {  	v17 =	vld.idx.msk [tilespmem:v17+s17+$0x0], vm0  }
0x116: {  	p2 =	sne.s32 s26, $0x1  }
.Ltmp15:
0x117: {  	_ = 	snop;
	(pc) =	sbr.rel @!p2 .LBB2_21-.Ltmp15, $3  }
0x118: {  	_ =	sdelay $0x1  }
0x119: {  	v19 =	vnsel vm0, $0x7F7FFFFF, v17;
	v17 =	vadd.s32 $0x1, v14  }
0x11a: {  	s26 =	sadd.s32 $0xFFFFFFFF, s26;
	p0 =	por $0x1, $0x1;
	(xrf1) =	vsort.dscd.msk.f32 $0xffff, v19, v18;
	vm0 =	vlt.s32 v17, v16;
	v18 =	vadd.s32 v1, v17  }
0x11b: {  	_ =	sdelay $0xc  }
0x11c: {  	v18 =	vld.idx.msk [tilespmem:v18+s16+$0x0], vm0;
	v19, v20, _ =	vpop (xrf1)  }
0x11d: {  	vm1 =	vle.f32 v13, v19  }
0x11e: {  	v19 =	vsel vm1, v13, v19;
	v20 =	vsel vm1, v14, v20  }
0x11f: {  	(xrf1) =	vsort.dscd.msk.f32 $0xffff, v19, v20;
	_ =	sdelay $0x1  }
0x120: {  	v19 =	vshll.u32 v18, $0x2  }
0x121: {  	v20 =	vand.u32 $0x7F, v18;
	v19 =	vand.u32 $0xFFFFFE00, v19  }
0x122: {  	v19 =	vor.u32 v20, v19;
	_ =	sdelay $0x4  }
0x123: {  	v19 =	vld.idx.msk [tilespmem:v19+s17+$0x0], vm0;
	_ =	sdelay $0x4  }
0x124: {  	v19 =	vnsel vm0, $0x7F7FFFFF, v19;
	v20, v21, _ =	vpop (xrf1)  }
0x125: {  	(xrf1) =	vsort.dscd.msk.f32 $0xffff, v19, v18;
	vm0 =	vle.f32 v13, v20  }
0x126: {  	v18 =	vsel vm0, v20, v13;
	v19 =	vsel vm0, v21, v14  }
0x127: {  	v20 =	vsel vm0, v13, v20;
	v21 =	vsel vm0, v14, v21;
	(xrf1) =	vsort.ascd.msk.f32 $0xffff, v18, v19  }
0x128: {  	(xrf1) =	vsort.ascd.msk.f32 $0xffff, v20, v21;
	_ =	sdelay $0x1  }
0x129: {  	p2 =	sne.s32 s26, $0x1  }
.Ltmp16:
0x12a: {  	_ = 	snop;
	(pc) =	sbr.rel @!p2 .LBB2_24-.Ltmp16, $4  }
0x12b: {  	v17 =	vadd.s32 $0x1, v17  }
0x12c: {  	vm0 =	vlt.s32 v17, v16  }
0x12d: {  	v18 =	vadd.s32 v1, v17  }
0x12e: {  	s26 =	sadd.s32 $0xFFFFFFFF, s26;
	p1 =	por $0x1, $0x1  }
.LBB2_23:
0x12f: {  	p2 =	sne.s32 s26, $0x1;
	_ =	sdelay $0x2  }
0x130: {  	v18 =	vld.idx.msk [tilespmem:v18+s16+$0x0], vm0;
	v19, v20, _ =	vpop (xrf1);
	_ =	sdelay $0x1  }
0x131: {  	v21, v22, _ =	vpop (xrf1)  }
0x132: {  	vm1 =	vle.f32 v21, v19;
	v23, v24, _ =	vpop (xrf1)  }
0x133: {  	v19 =	vsel vm1, v21, v19;
	v20 =	vsel vm1, v22, v20  }
0x134: {  	(xrf1) =	vsort.dscd.msk.f32 $0xffff, v19, v20  }
0x135: {  	v19 =	vshll.u32 v18, $0x2  }
0x136: {  	v20 =	vand.u32 $0x7F, v18;
	v19 =	vand.u32 $0xFFFFFE00, v19  }
0x137: {  	v19 =	vor.u32 v20, v19;
	_ =	sdelay $0x4  }
0x138: {  	v19 =	vld.idx.msk [tilespmem:v19+s17+$0x0], vm0;
	_ =	sdelay $0x5  }
0x139: {  	v19 =	vnsel vm0, $0x7F7FFFFF, v19;
	v20, v21, _ =	vpop (xrf1)  }
0x13a: {  	(xrf1) =	vsort.dscd.msk.f32 $0xffff, v19, v18;
	vm0 =	vle.f32 v23, v20  }
0x13b: {  	v18 =	vsel vm0, v23, v20;
	v19 =	vsel vm0, v20, v23;
	v20 =	vsel vm0, v21, v24  }
0x13c: {  	v21 =	vsel vm0, v24, v21;
	(xrf1) =	vsort.ascd.msk.f32 $0xffff, v19, v20  }
0x13d: {  	(xrf1) =	vsort.ascd.msk.f32 $0xffff, v18, v21;
	_ =	sdelay $0x2  }
.Ltmp17:
0x13e: {  	(pc) =	sbr.rel @p2 .LBB2_23-.Ltmp17, $4  }
0x13f: {  	v17 =	vadd.s32 $0x1, v17  }
0x140: {  	vm0 =	vlt.s32 v17, v16  }
0x141: {  	v18 =	vadd.s32 v1, v17  }
0x142: {  	s26 =	sadd.s32 $0xFFFFFFFF, s26  }
.LBB2_24:
0x143: {  	_ =	sdelay $0x3  }
0x144: {  	v16, v17, _ =	vpop @p0 (xrf1)  }
0x145: {  	v19, v20, _ =	vpop @p1 (xrf1)  }
0x146: {  	v19 =	vpsel p1, v19, v13  }
0x147: {  	v18 =	vld.idx.msk [tilespmem:v18+s16+$0x0], vm0;
	v20 =	vpsel p1, v20, v14;
	vm1 =	vle.f32 @p0 v19, v16  }
0x148: {  	v16 =	vsel @p0 vm1, v19, v16;
	v17 =	vsel @p0 vm1, v20, v17  }
0x149: {  	(xrf1) =	vsort.dscd.msk.f32 @p0 $0xffff, v16, v17;
	_ =	sdelay $0x2  }
0x14a: {  	v16 =	vshll.u32 v18, $0x2  }
0x14b: {  	v17 =	vand.u32 $0x7F, v18;
	v16 =	vand.u32 $0xFFFFFE00, v16  }
0x14c: {  	v16 =	vor.u32 v17, v16;
	_ =	sdelay $0x4  }
0x14d: {  	v16 =	vld.idx.msk [tilespmem:v16+s17+$0x0], vm0;
	_ =	sdelay $0x2  }
0x14e: {  	v17, v19, _ =	vpop @p1 (xrf1)  }
0x14f: {  	v17 =	vpsel p1, v17, v13;
	v20, v21, _ =	vpop @p0 (xrf1)  }
0x150: {  	v19 =	vpsel p1, v19, v14;
	v16 =	vnsel vm0, $0x7F7FFFFF, v16;
	vm0 =	vle.f32 @p0 v17, v20  }
0x151: {  	(xrf1) =	vsort.dscd.msk.f32 $0xffff, v16, v18;
	v16 =	vsel @p0 vm0, v20, v17;
	v18 =	vsel @p0 vm0, v21, v19  }
0x152: {  	(xrf1) =	vsort.ascd.msk.f32 @p0 $0xffff, v16, v18;
	_ =	sdelay $0xc  }
0x153: {  	v16, v18, _ =	vpop (xrf1)  }
0x154: {  	v22, v23, _ =	vpop @p0 (xrf1)  }
0x155: {  	v17 =	vsel @p0 vm0, v17, v20;
	v20 =	vpsel p0, v22, v13  }
0x156: {  	v19 =	vsel @p0 vm0, v19, v21;
	v21 =	vpsel p0, v23, v14;
	vm14 =	vle.f32 v20, v16  }
0x157: {  	(xrf1) =	vsort.ascd.msk.f32 @p0 $0xffff, v17, v19;
	v16 =	vsel vm14, v20, v16;
	v17 =	vsel vm14, v21, v18  }
0x158: {  	(xrf1) =	vsort.dscd.msk.f32 $0xffff, v16, v17;
	_ =	sdelay $0xc  }
0x159: {  	v16, v17, _ =	vpop @p0 (xrf1)  }
0x15a: {  	v16 =	vpsel p0, v16, v13;
	v18, v19, _ =	vpop (xrf1)  }
0x15b: {  	v17 =	vpsel p0, v17, v14;
	vm15 =	vle.f32 v16, v18  }
0x15c: {  	v20 =	vsel vm15, v18, v16;
	v21 =	vsel vm15, v19, v17  }
0x15d: {  	v16 =	vsel vm15, v16, v18;
	v17 =	vsel vm15, v17, v19;
	(xrf1) =	vsort.ascd.msk.f32 $0xffff, v20, v21  }
0x15e: {  	(xrf1) =	vsort.ascd.msk.f32 $0xffff, v16, v17;
	_ =	sdelay $0xc  }
0x15f: {  	v18, v19, _ =	vpop (xrf1)  }
0x160: {  	v17, v20, _ =	vpop (xrf1)  }
.LBB2_25:
0x161: {  	vm0 =	vlt.s32 v15, $0x100  }
0x162: {  	v15 =	vnsel vm0, $0x100, v15  }
0x163: {  	v16 =	vxor.u32 $0x80000000, v15  }
0x164: {  	(xrf0) =	vmax.scan.msk.u32 $0xffff, v16;
	_ =	sdelay $0x5  }
0x165: {  	v16, _, _ =	vpop (xrf0)  }
0x166: {  	(v2sf) =	vpush v16, $0xF;
	_ =	sdelay $0xe  }
0x167: {  	s31 =	spop (v2sf)  }
0x168: {  	s26 =	sxor.u32 $0x80000000, s31  }
0x169: {  	s0 =	sor.u32 s22, s25;
	p0 =	slt.s32 s26, $0x1  }
.Ltmp18:
0x16a: {  	s25 =	sshll.u32 s0, $0x5;
	(pc) =	sbr.rel @p0 .LBB2_26-.Ltmp18, $4  }
0x16b: {  	[tilespmem:s25+$0x14400] =	vst v20  }
0x16c: {  	[tilespmem:s25+$0x14410] =	vst v19  }
0x16d: {  	[tilespmem:s25+$0x15400] =	vst v17  }
0x16e: {  	[tilespmem:s25+$0x15410] =	vst v18  }
0x16f: {  	p2 =	sne.s32 s26, $0x1  }
.Ltmp19:
0x170: {  	_ = 	snop;
	(pc) =	sbr.rel @!p2 .LBB2_28-.Ltmp19, $2  }
0x171: {  	_ =	sdelay $0x2  }
0x172: {  	vm0 =	vlt.s32 v14, v15;
	v17 =	vadd.s32 v3, v14;
	s26 =	sadd.s32 $0xFFFFFFFF, s26;
	p0 =	por $0x0, $0x0;
	p1 =	por $0x0, $0x0  }
0x173: {  	_ =	sdelay $0x4  }
0x174: {  	v17 =	vld.idx.msk [tilespmem:v17+s16+$0x0], vm0;
	_ =	sdelay $0x4  }
0x175: {  	v16 =	vshll.u32 v17, $0x2  }
0x176: {  	v18 =	vand.u32 $0x7F, v17;
	v16 =	vand.u32 $0xFFFFFE00, v16  }
0x177: {  	v16 =	vor.u32 v16, v18  }
0x178: {  	v16 =	vor.u32 $0x80, v16;
	_ =	sdelay $0x4  }
0x179: {  	v16 =	vld.idx.msk [tilespmem:v16+s17+$0x0], vm0  }
0x17a: {  	p2 =	sne.s32 s26, $0x1  }
.Ltmp20:
0x17b: {  	_ = 	snop;
	(pc) =	sbr.rel @!p2 .LBB2_30-.Ltmp20, $3  }
0x17c: {  	_ =	sdelay $0x1  }
0x17d: {  	v18 =	vnsel vm0, $0x7F7FFFFF, v16;
	v16 =	vadd.s32 $0x1, v14  }
0x17e: {  	s26 =	sadd.s32 $0xFFFFFFFF, s26;
	p0 =	por $0x1, $0x1;
	(xrf1) =	vsort.dscd.msk.f32 $0xffff, v18, v17;
	vm0 =	vlt.s32 v16, v15;
	v17 =	vadd.s32 v3, v16  }
0x17f: {  	_ =	sdelay $0xb  }
0x180: {  	v17 =	vld.idx.msk [tilespmem:v17+s16+$0x0], vm0  }
0x181: {  	v18, v19, _ =	vpop (xrf1)  }
0x182: {  	vm1 =	vle.f32 v13, v18  }
0x183: {  	v18 =	vsel vm1, v13, v18;
	v19 =	vsel vm1, v14, v19  }
0x184: {  	(xrf1) =	vsort.dscd.msk.f32 $0xffff, v18, v19  }
0x185: {  	v18 =	vshll.u32 v17, $0x2  }
0x186: {  	v19 =	vand.u32 $0x7F, v17;
	v18 =	vand.u32 $0xFFFFFE00, v18  }
0x187: {  	v18 =	vor.u32 v18, v19  }
0x188: {  	v18 =	vor.u32 $0x80, v18;
	_ =	sdelay $0x4  }
0x189: {  	v18 =	vld.idx.msk [tilespmem:v18+s17+$0x0], vm0;
	_ =	sdelay $0x4  }
0x18a: {  	v18 =	vnsel vm0, $0x7F7FFFFF, v18;
	v19, v20, _ =	vpop (xrf1)  }
0x18b: {  	(xrf1) =	vsort.dscd.msk.f32 $0xffff, v18, v17;
	vm0 =	vle.f32 v13, v19  }
0x18c: {  	v17 =	vsel vm0, v19, v13;
	v18 =	vsel vm0, v20, v14  }
0x18d: {  	v19 =	vsel vm0, v13, v19;
	v20 =	vsel vm0, v14, v20;
	(xrf1) =	vsort.ascd.msk.f32 $0xffff, v17, v18  }
0x18e: {  	(xrf1) =	vsort.ascd.msk.f32 $0xffff, v19, v20  }
0x18f: {  	p2 =	sne.s32 s26, $0x1  }
.Ltmp21:
0x190: {  	_ = 	snop;
	(pc) =	sbr.rel @!p2 .LBB2_33-.Ltmp21, $4  }
0x191: {  	v16 =	vadd.s32 $0x1, v16  }
0x192: {  	vm0 =	vlt.s32 v16, v15  }
0x193: {  	v17 =	vadd.s32 v3, v16  }
0x194: {  	s26 =	sadd.s32 $0xFFFFFFFF, s26;
	p1 =	por $0x1, $0x1  }
.LBB2_32:
0x195: {  	p2 =	sne.s32 s26, $0x1;
	_ =	sdelay $0x2  }
0x196: {  	v17 =	vld.idx.msk [tilespmem:v17+s16+$0x0], vm0  }
0x197: {  	v18, v19, _ =	vpop (xrf1);
	_ =	sdelay $0x1  }
0x198: {  	v20, v21, _ =	vpop (xrf1)  }
0x199: {  	vm1 =	vle.f32 v20, v18;
	v22, v23, _ =	vpop (xrf1)  }
0x19a: {  	v18 =	vsel vm1, v20, v18;
	v19 =	vsel vm1, v21, v19  }
0x19b: {  	v20 =	vshll.u32 v17, $0x2;
	(xrf1) =	vsort.dscd.msk.f32 $0xffff, v18, v19  }
0x19c: {  	v18 =	vand.u32 $0x7F, v17;
	v19 =	vand.u32 $0xFFFFFE00, v20  }
0x19d: {  	v18 =	vor.u32 v19, v18  }
0x19e: {  	v18 =	vor.u32 $0x80, v18;
	_ =	sdelay $0x4  }
0x19f: {  	v18 =	vld.idx.msk [tilespmem:v18+s17+$0x0], vm0;
	_ =	sdelay $0x5  }
0x1a0: {  	v18 =	vnsel vm0, $0x7F7FFFFF, v18;
	v19, v20, _ =	vpop (xrf1)  }
0x1a1: {  	(xrf1) =	vsort.dscd.msk.f32 $0xffff, v18, v17;
	vm0 =	vle.f32 v22, v19  }
0x1a2: {  	v17 =	vsel vm0, v22, v19;
	v18 =	vsel vm0, v19, v22;
	v19 =	vsel vm0, v20, v23  }
0x1a3: {  	v20 =	vsel vm0, v23, v20;
	(xrf1) =	vsort.ascd.msk.f32 $0xffff, v18, v19  }
0x1a4: {  	(xrf1) =	vsort.ascd.msk.f32 $0xffff, v17, v20;
	_ =	sdelay $0x1  }
.Ltmp22:
0x1a5: {  	(pc) =	sbr.rel @p2 .LBB2_32-.Ltmp22, $4  }
0x1a6: {  	v16 =	vadd.s32 $0x1, v16  }
0x1a7: {  	vm0 =	vlt.s32 v16, v15  }
0x1a8: {  	v17 =	vadd.s32 v3, v16  }
0x1a9: {  	s26 =	sadd.s32 $0xFFFFFFFF, s26  }
.LBB2_33:
0x1aa: {  	_ =	sdelay $0x4  }
0x1ab: {  	v15, v16, _ =	vpop @p0 (xrf1)  }
0x1ac: {  	v18, v19, _ =	vpop @p1 (xrf1)  }
0x1ad: {  	v17 =	vld.idx.msk [tilespmem:v17+s16+$0x0], vm0;
	v18 =	vpsel p1, v18, v13  }
0x1ae: {  	v19 =	vpsel p1, v19, v14;
	vm1 =	vle.f32 @p0 v18, v15  }
0x1af: {  	v15 =	vsel @p0 vm1, v18, v15;
	v16 =	vsel @p0 vm1, v19, v16  }
0x1b0: {  	(xrf1) =	vsort.dscd.msk.f32 @p0 $0xffff, v15, v16;
	_ =	sdelay $0x1  }
0x1b1: {  	v15 =	vshll.u32 v17, $0x2  }
0x1b2: {  	v16 =	vand.u32 $0x7F, v17;
	v15 =	vand.u32 $0xFFFFFE00, v15  }
0x1b3: {  	v15 =	vor.u32 v15, v16  }
0x1b4: {  	v15 =	vor.u32 $0x80, v15;
	_ =	sdelay $0x4  }
0x1b5: {  	v15 =	vld.idx.msk [tilespmem:v15+s17+$0x0], vm0;
	_ =	sdelay $0x2  }
0x1b6: {  	v16, v18, _ =	vpop @p1 (xrf1)  }
0x1b7: {  	v16 =	vpsel p1, v16, v13;
	v19, v20, _ =	vpop @p0 (xrf1)  }
0x1b8: {  	v18 =	vpsel p1, v18, v14;
	v15 =	vnsel vm0, $0x7F7FFFFF, v15;
	vm0 =	vle.f32 @p0 v16, v19  }
0x1b9: {  	(xrf1) =	vsort.dscd.msk.f32 $0xffff, v15, v17;
	v15 =	vsel @p0 vm0, v19, v16;
	v17 =	vsel @p0 vm0, v20, v18  }
0x1ba: {  	(xrf1) =	vsort.ascd.msk.f32 @p0 $0xffff, v15, v17;
	_ =	sdelay $0xc  }
0x1bb: {  	v15, v17, _ =	vpop (xrf1)  }
0x1bc: {  	v21, v22, _ =	vpop @p0 (xrf1)  }
0x1bd: {  	v16 =	vsel @p0 vm0, v16, v19;
	v19 =	vpsel p0, v21, v13  }
0x1be: {  	v18 =	vsel @p0 vm0, v18, v20;
	v63 =	vpsel p0, v22, v14;
	vm14 =	vle.f32 v19, v15  }
0x1bf: {  	(xrf1) =	vsort.ascd.msk.f32 @p0 $0xffff, v16, v18;
	v15 =	vsel vm14, v19, v15;
	v16 =	vsel vm14, v63, v17  }
0x1c0: {  	(xrf1) =	vsort.dscd.msk.f32 $0xffff, v15, v16;
	_ =	sdelay $0xc  }
0x1c1: {  	v15, v16, _ =	vpop @p0 (xrf1)  }
0x1c2: {  	v13 =	vpsel p0, v15, v13;
	v17, v18, _ =	vpop (xrf1)  }
0x1c3: {  	v14 =	vpsel p0, v16, v14;
	vm15 =	vle.f32 v13, v17  }
0x1c4: {  	v15 =	vsel vm15, v17, v13;
	v16 =	vsel vm15, v18, v14  }
0x1c5: {  	v13 =	vsel vm15, v13, v17;
	v14 =	vsel vm15, v14, v18;
	(xrf1) =	vsort.ascd.msk.f32 $0xffff, v15, v16  }
0x1c6: {  	(xrf1) =	vsort.ascd.msk.f32 $0xffff, v13, v14;
	_ =	sdelay $0x9  }
.Ltmp23:
0x1c7: {  	_ = 	snop;
	(pc) =	sbr.rel .LBB2_34-.Ltmp23, $3  }
0x1c8: {  	_ =	sdelay $0x1  }
0x1c9: {  	v16, v17, _ =	vpop (xrf1)  }
0x1ca: {  	v13, v14, _ =	vpop (xrf1)  }
.LBB2_26:
0x1cb: {  	v16 =	vimm.f32 $3.402823470e+38;
	v17 =	vimm.s32 $0x0  }
.LBB2_34:
0x1cc: {  	vm0 =	vlt.s32 v12, $0x100  }
0x1cd: {  	v15 =	vnsel vm0, $0x100, v12  }
0x1ce: {  	v12 =	vxor.u32 $0x80000000, v15  }
0x1cf: {  	(xrf0) =	vmax.scan.msk.u32 $0xffff, v12;
	_ =	sdelay $0x5  }
0x1d0: {  	v12, _, _ =	vpop (xrf0)  }
0x1d1: {  	(v2sf) =	vpush v12, $0xF;
	_ =	sdelay $0xe  }
0x1d2: {  	s0 =	spop (v2sf)  }
0x1d3: {  	s26 =	sxor.u32 $0x80000000, s0  }
0x1d4: {  	p0 =	slt.s32 s26, $0x1  }
.Ltmp24:
0x1d5: {  	_ = 	snop;
	(pc) =	sbr.rel @p0 .LBB2_42-.Ltmp24, $4  }
0x1d6: {  	[tilespmem:s25+$0x14420] =	vst v14  }
0x1d7: {  	[tilespmem:s25+$0x14430] =	vst v17  }
0x1d8: {  	[tilespmem:s25+$0x15420] =	vst v13;
	v13 =	vimm.s32 $0x0;
	v14 =	vimm.f32 $3.402823470e+38;
	v18 =	vimm.s32 $0x0  }
0x1d9: {  	[tilespmem:s25+$0x15430] =	vst v16;
	v16 =	vimm.f32 $3.402823470e+38;
	v17 =	vimm.s32 $0x0;
	v12 =	vimm.f32 $3.402823470e+38  }
0x1da: {  	p2 =	sne.s32 s26, $0x1  }
.Ltmp25:
0x1db: {  	_ = 	snop;
	(pc) =	sbr.rel @!p2 .LBB2_36-.Ltmp25, $2  }
0x1dc: {  	_ =	sdelay $0x2  }
0x1dd: {  	vm0 =	vlt.s32 v13, v15;
	v16 =	vadd.s32 v4, v13;
	s26 =	sadd.s32 $0xFFFFFFFF, s26;
	p0 =	por $0x0, $0x0;
	p1 =	por $0x0, $0x0  }
0x1de: {  	_ =	sdelay $0x4  }
0x1df: {  	v16 =	vld.idx.msk [tilespmem:v16+s16+$0x0], vm0;
	_ =	sdelay $0x4  }
0x1e0: {  	v14 =	vshll.u32 v16, $0x2  }
0x1e1: {  	v17 =	vand.u32 $0x7F, v16;
	v14 =	vand.u32 $0xFFFFFE00, v14  }
0x1e2: {  	v14 =	vor.u32 v14, v17  }
0x1e3: {  	v14 =	vor.u32 $0x100, v14;
	_ =	sdelay $0x4  }
0x1e4: {  	v14 =	vld.idx.msk [tilespmem:v14+s17+$0x0], vm0  }
0x1e5: {  	p2 =	sne.s32 s26, $0x1  }
.Ltmp26:
0x1e6: {  	_ = 	snop;
	(pc) =	sbr.rel @!p2 .LBB2_38-.Ltmp26, $3  }
0x1e7: {  	_ =	sdelay $0x1  }
0x1e8: {  	v17 =	vnsel vm0, $0x7F7FFFFF, v14;
	v14 =	vadd.s32 $0x1, v13  }
0x1e9: {  	s26 =	sadd.s32 $0xFFFFFFFF, s26;
	p0 =	por $0x1, $0x1;
	(xrf1) =	vsort.dscd.msk.f32 $0xffff, v17, v16;
	vm0 =	vlt.s32 v14, v15;
	v16 =	vadd.s32 v4, v14  }
0x1ea: {  	_ =	sdelay $0xb  }
0x1eb: {  	v16 =	vld.idx.msk [tilespmem:v16+s16+$0x0], vm0  }
0x1ec: {  	v17, v18, _ =	vpop (xrf1)  }
0x1ed: {  	vm1 =	vle.f32 v12, v17  }
0x1ee: {  	v17 =	vsel vm1, v12, v17;
	v18 =	vsel vm1, v13, v18  }
0x1ef: {  	(xrf1) =	vsort.dscd.msk.f32 $0xffff, v17, v18  }
0x1f0: {  	v17 =	vshll.u32 v16, $0x2  }
0x1f1: {  	v18 =	vand.u32 $0x7F, v16;
	v17 =	vand.u32 $0xFFFFFE00, v17  }
0x1f2: {  	v17 =	vor.u32 v17, v18  }
0x1f3: {  	v17 =	vor.u32 $0x100, v17;
	_ =	sdelay $0x4  }
0x1f4: {  	v17 =	vld.idx.msk [tilespmem:v17+s17+$0x0], vm0;
	_ =	sdelay $0x4  }
0x1f5: {  	v17 =	vnsel vm0, $0x7F7FFFFF, v17;
	v18, v19, _ =	vpop (xrf1)  }
0x1f6: {  	(xrf1) =	vsort.dscd.msk.f32 $0xffff, v17, v16;
	vm0 =	vle.f32 v12, v18  }
0x1f7: {  	v16 =	vsel vm0, v18, v12;
	v17 =	vsel vm0, v19, v13  }
0x1f8: {  	v18 =	vsel vm0, v12, v18;
	v19 =	vsel vm0, v13, v19;
	(xrf1) =	vsort.ascd.msk.f32 $0xffff, v16, v17  }
0x1f9: {  	(xrf1) =	vsort.ascd.msk.f32 $0xffff, v18, v19  }
0x1fa: {  	p2 =	sne.s32 s26, $0x1  }
.Ltmp27:
0x1fb: {  	_ = 	snop;
	(pc) =	sbr.rel @!p2 .LBB2_41-.Ltmp27, $4  }
0x1fc: {  	v14 =	vadd.s32 $0x1, v14  }
0x1fd: {  	vm0 =	vlt.s32 v14, v15  }
0x1fe: {  	v16 =	vadd.s32 v4, v14  }
0x1ff: {  	s26 =	sadd.s32 $0xFFFFFFFF, s26;
	p1 =	por $0x1, $0x1  }
.LBB2_40:
0x200: {  	p2 =	sne.s32 s26, $0x1;
	_ =	sdelay $0x2  }
0x201: {  	v16 =	vld.idx.msk [tilespmem:v16+s16+$0x0], vm0  }
0x202: {  	v17, v18, _ =	vpop (xrf1);
	_ =	sdelay $0x1  }
0x203: {  	v19, v20, _ =	vpop (xrf1)  }
0x204: {  	vm1 =	vle.f32 v19, v17;
	v21, v22, _ =	vpop (xrf1)  }
0x205: {  	v17 =	vsel vm1, v19, v17;
	v18 =	vsel vm1, v20, v18  }
0x206: {  	v19 =	vshll.u32 v16, $0x2;
	(xrf1) =	vsort.dscd.msk.f32 $0xffff, v17, v18  }
0x207: {  	v17 =	vand.u32 $0x7F, v16;
	v18 =	vand.u32 $0xFFFFFE00, v19  }
0x208: {  	v17 =	vor.u32 v18, v17  }
0x209: {  	v17 =	vor.u32 $0x100, v17;
	_ =	sdelay $0x4  }
0x20a: {  	v17 =	vld.idx.msk [tilespmem:v17+s17+$0x0], vm0;
	_ =	sdelay $0x5  }
0x20b: {  	v17 =	vnsel vm0, $0x7F7FFFFF, v17;
	v18, v19, _ =	vpop (xrf1)  }
0x20c: {  	(xrf1) =	vsort.dscd.msk.f32 $0xffff, v17, v16;
	vm0 =	vle.f32 v21, v18  }
0x20d: {  	v16 =	vsel vm0, v21, v18;
	v17 =	vsel vm0, v18, v21;
	v18 =	vsel vm0, v19, v22  }
0x20e: {  	v19 =	vsel vm0, v22, v19;
	(xrf1) =	vsort.ascd.msk.f32 $0xffff, v17, v18  }
0x20f: {  	(xrf1) =	vsort.ascd.msk.f32 $0xffff, v16, v19;
	_ =	sdelay $0x1  }
.Ltmp28:
0x210: {  	(pc) =	sbr.rel @p2 .LBB2_40-.Ltmp28, $4  }
0x211: {  	v14 =	vadd.s32 $0x1, v14  }
0x212: {  	vm0 =	vlt.s32 v14, v15  }
0x213: {  	v16 =	vadd.s32 v4, v14  }
0x214: {  	s26 =	sadd.s32 $0xFFFFFFFF, s26  }
.LBB2_41:
0x215: {  	_ =	sdelay $0x4  }
0x216: {  	v14, v15, _ =	vpop @p0 (xrf1)  }
0x217: {  	v17, v18, _ =	vpop @p1 (xrf1)  }
0x218: {  	v16 =	vld.idx.msk [tilespmem:v16+s16+$0x0], vm0;
	v17 =	vpsel p1, v17, v12  }
0x219: {  	v18 =	vpsel p1, v18, v13;
	vm1 =	vle.f32 @p0 v17, v14  }
0x21a: {  	v14 =	vsel @p0 vm1, v17, v14;
	v15 =	vsel @p0 vm1, v18, v15  }
0x21b: {  	(xrf1) =	vsort.dscd.msk.f32 @p0 $0xffff, v14, v15;
	_ =	sdelay $0x1  }
0x21c: {  	v14 =	vshll.u32 v16, $0x2  }
0x21d: {  	v15 =	vand.u32 $0x7F, v16;
	v14 =	vand.u32 $0xFFFFFE00, v14  }
0x21e: {  	v14 =	vor.u32 v14, v15  }
0x21f: {  	v14 =	vor.u32 $0x100, v14;
	_ =	sdelay $0x4  }
0x220: {  	v14 =	vld.idx.msk [tilespmem:v14+s17+$0x0], vm0;
	_ =	sdelay $0x2  }
0x221: {  	v15, v17, _ =	vpop @p1 (xrf1)  }
0x222: {  	v15 =	vpsel p1, v15, v12;
	v18, v19, _ =	vpop @p0 (xrf1)  }
0x223: {  	v17 =	vpsel p1, v17, v13;
	v14 =	vnsel vm0, $0x7F7FFFFF, v14;
	vm0 =	vle.f32 @p0 v15, v18  }
0x224: {  	(xrf1) =	vsort.dscd.msk.f32 $0xffff, v14, v16;
	v14 =	vsel @p0 vm0, v18, v15;
	v16 =	vsel @p0 vm0, v19, v17  }
0x225: {  	(xrf1) =	vsort.ascd.msk.f32 @p0 $0xffff, v14, v16;
	_ =	sdelay $0xc  }
0x226: {  	v14, v16, _ =	vpop (xrf1)  }
0x227: {  	v20, v21, _ =	vpop @p0 (xrf1)  }
0x228: {  	v15 =	vsel @p0 vm0, v15, v18;
	v18 =	vpsel p0, v20, v12  }
0x229: {  	v17 =	vsel @p0 vm0, v17, v19;
	v19 =	vpsel p0, v21, v13;
	vm14 =	vle.f32 v18, v14  }
0x22a: {  	(xrf1) =	vsort.ascd.msk.f32 @p0 $0xffff, v15, v17;
	v14 =	vsel vm14, v18, v14;
	v15 =	vsel vm14, v19, v16  }
0x22b: {  	(xrf1) =	vsort.dscd.msk.f32 $0xffff, v14, v15;
	_ =	sdelay $0xc  }
0x22c: {  	v14, v15, _ =	vpop @p0 (xrf1)  }
0x22d: {  	v14 =	vpsel p0, v14, v12;
	v16, v17, _ =	vpop (xrf1)  }
0x22e: {  	v15 =	vpsel p0, v15, v13;
	vm15 =	vle.f32 v14, v16  }
0x22f: {  	v18 =	vsel vm15, v16, v14;
	v19 =	vsel vm15, v17, v15  }
0x230: {  	v14 =	vsel vm15, v14, v16;
	v15 =	vsel vm15, v15, v17;
	(xrf1) =	vsort.ascd.msk.f32 $0xffff, v18, v19  }
0x231: {  	(xrf1) =	vsort.ascd.msk.f32 $0xffff, v14, v15;
	_ =	sdelay $0xc  }
0x232: {  	v16, v17, _ =	vpop (xrf1)  }
0x233: {  	v14, v18, _ =	vpop (xrf1)  }
.LBB2_42:
0x234: {  	vm0 =	vlt.s32 v11, $0x100  }
0x235: {  	v11 =	vnsel vm0, $0x100, v11  }
0x236: {  	v15 =	vxor.u32 $0x80000000, v11  }
0x237: {  	(xrf0) =	vmax.scan.msk.u32 $0xffff, v15;
	_ =	sdelay $0x5  }
0x238: {  	v15, _, _ =	vpop (xrf0)  }
0x239: {  	(v2sf) =	vpush v15, $0xF;
	_ =	sdelay $0xe  }
0x23a: {  	s0 =	spop (v2sf)  }
0x23b: {  	s26 =	sxor.u32 $0x80000000, s0  }
0x23c: {  	p0 =	slt.s32 s26, $0x1  }
.Ltmp29:
0x23d: {  	_ = 	snop;
	(pc) =	sbr.rel @p0 .LBB2_43-.Ltmp29, $4  }
0x23e: {  	[tilespmem:s25+$0x14440] =	vst v18  }
0x23f: {  	[tilespmem:s25+$0x14450] =	vst v17  }
0x240: {  	[tilespmem:s25+$0x15440] =	vst v14  }
0x241: {  	[tilespmem:s25+$0x15450] =	vst v16  }
0x242: {  	p2 =	sne.s32 s26, $0x1  }
.Ltmp30:
0x243: {  	_ = 	snop;
	(pc) =	sbr.rel @!p2 .LBB2_45-.Ltmp30, $2  }
0x244: {  	_ =	sdelay $0x2  }
0x245: {  	vm0 =	vlt.s32 v13, v11;
	v15 =	vadd.s32 v5, v13;
	s26 =	sadd.s32 $0xFFFFFFFF, s26;
	p0 =	por $0x0, $0x0;
	p1 =	por $0x0, $0x0  }
0x246: {  	_ =	sdelay $0x4  }
0x247: {  	v15 =	vld.idx.msk [tilespmem:v15+s16+$0x0], vm0;
	_ =	sdelay $0x4  }
0x248: {  	v14 =	vshll.u32 v15, $0x2  }
0x249: {  	v16 =	vand.u32 $0x7F, v15;
	v14 =	vand.u32 $0xFFFFFE00, v14  }
0x24a: {  	v14 =	vor.u32 v14, v16  }
0x24b: {  	v14 =	vor.u32 $0x180, v14;
	_ =	sdelay $0x4  }
0x24c: {  	v14 =	vld.idx.msk [tilespmem:v14+s17+$0x0], vm0  }
0x24d: {  	p2 =	sne.s32 s26, $0x1  }
.Ltmp31:
0x24e: {  	_ = 	snop;
	(pc) =	sbr.rel @!p2 .LBB2_47-.Ltmp31, $3  }
0x24f: {  	_ =	sdelay $0x1  }
0x250: {  	v16 =	vnsel vm0, $0x7F7FFFFF, v14;
	v14 =	vadd.s32 $0x1, v13  }
0x251: {  	s26 =	sadd.s32 $0xFFFFFFFF, s26;
	p0 =	por $0x1, $0x1;
	(xrf1) =	vsort.dscd.msk.f32 $0xffff, v16, v15;
	vm0 =	vlt.s32 v14, v11;
	v15 =	vadd.s32 v5, v14  }
0x252: {  	_ =	sdelay $0xb  }
0x253: {  	v15 =	vld.idx.msk [tilespmem:v15+s16+$0x0], vm0  }
0x254: {  	v16, v17, _ =	vpop (xrf1)  }
0x255: {  	vm1 =	vle.f32 v12, v16  }
0x256: {  	v16 =	vsel vm1, v12, v16;
	v17 =	vsel vm1, v13, v17  }
0x257: {  	(xrf1) =	vsort.dscd.msk.f32 $0xffff, v16, v17  }
0x258: {  	v16 =	vshll.u32 v15, $0x2  }
0x259: {  	v17 =	vand.u32 $0x7F, v15;
	v16 =	vand.u32 $0xFFFFFE00, v16  }
0x25a: {  	v16 =	vor.u32 v16, v17  }
0x25b: {  	v16 =	vor.u32 $0x180, v16;
	_ =	sdelay $0x4  }
0x25c: {  	v16 =	vld.idx.msk [tilespmem:v16+s17+$0x0], vm0;
	_ =	sdelay $0x4  }
0x25d: {  	v16 =	vnsel vm0, $0x7F7FFFFF, v16;
	v17, v18, _ =	vpop (xrf1)  }
0x25e: {  	(xrf1) =	vsort.dscd.msk.f32 $0xffff, v16, v15;
	vm0 =	vle.f32 v12, v17  }
0x25f: {  	v15 =	vsel vm0, v17, v12;
	v16 =	vsel vm0, v18, v13  }
0x260: {  	v17 =	vsel vm0, v12, v17;
	v18 =	vsel vm0, v13, v18;
	(xrf1) =	vsort.ascd.msk.f32 $0xffff, v15, v16  }
0x261: {  	(xrf1) =	vsort.ascd.msk.f32 $0xffff, v17, v18  }
0x262: {  	p2 =	sne.s32 s26, $0x1  }
.Ltmp32:
0x263: {  	_ = 	snop;
	(pc) =	sbr.rel @!p2 .LBB2_50-.Ltmp32, $4  }
0x264: {  	v14 =	vadd.s32 $0x1, v14  }
0x265: {  	vm0 =	vlt.s32 v14, v11  }
0x266: {  	v15 =	vadd.s32 v5, v14  }
0x267: {  	s26 =	sadd.s32 $0xFFFFFFFF, s26;
	p1 =	por $0x1, $0x1  }
.LBB2_49:
0x268: {  	p2 =	sne.s32 s26, $0x1;
	_ =	sdelay $0x2  }
0x269: {  	v15 =	vld.idx.msk [tilespmem:v15+s16+$0x0], vm0  }
0x26a: {  	v16, v17, _ =	vpop (xrf1);
	_ =	sdelay $0x1  }
0x26b: {  	v18, v19, _ =	vpop (xrf1)  }
0x26c: {  	vm1 =	vle.f32 v18, v16;
	v20, v21, _ =	vpop (xrf1)  }
0x26d: {  	v16 =	vsel vm1, v18, v16;
	v17 =	vsel vm1, v19, v17  }
0x26e: {  	v18 =	vshll.u32 v15, $0x2;
	(xrf1) =	vsort.dscd.msk.f32 $0xffff, v16, v17  }
0x26f: {  	v16 =	vand.u32 $0x7F, v15;
	v17 =	vand.u32 $0xFFFFFE00, v18  }
0x270: {  	v16 =	vor.u32 v17, v16  }
0x271: {  	v16 =	vor.u32 $0x180, v16;
	_ =	sdelay $0x4  }
0x272: {  	v16 =	vld.idx.msk [tilespmem:v16+s17+$0x0], vm0;
	_ =	sdelay $0x5  }
0x273: {  	v16 =	vnsel vm0, $0x7F7FFFFF, v16;
	v17, v18, _ =	vpop (xrf1)  }
0x274: {  	(xrf1) =	vsort.dscd.msk.f32 $0xffff, v16, v15;
	vm0 =	vle.f32 v20, v17  }
0x275: {  	v15 =	vsel vm0, v20, v17;
	v16 =	vsel vm0, v17, v20;
	v17 =	vsel vm0, v18, v21  }
0x276: {  	v18 =	vsel vm0, v21, v18;
	(xrf1) =	vsort.ascd.msk.f32 $0xffff, v16, v17  }
0x277: {  	(xrf1) =	vsort.ascd.msk.f32 $0xffff, v15, v18;
	_ =	sdelay $0x1  }
.Ltmp33:
0x278: {  	(pc) =	sbr.rel @p2 .LBB2_49-.Ltmp33, $4  }
0x279: {  	v14 =	vadd.s32 $0x1, v14  }
0x27a: {  	vm0 =	vlt.s32 v14, v11  }
0x27b: {  	v15 =	vadd.s32 v5, v14  }
0x27c: {  	s26 =	sadd.s32 $0xFFFFFFFF, s26  }
.LBB2_50:
0x27d: {  	_ =	sdelay $0x4  }
0x27e: {  	v11, v14, _ =	vpop @p0 (xrf1)  }
0x27f: {  	v16, v17, _ =	vpop @p1 (xrf1)  }
0x280: {  	v15 =	vld.idx.msk [tilespmem:v15+s16+$0x0], vm0;
	v16 =	vpsel p1, v16, v12  }
0x281: {  	v17 =	vpsel p1, v17, v13;
	vm1 =	vle.f32 @p0 v16, v11  }
0x282: {  	v11 =	vsel @p0 vm1, v16, v11;
	v14 =	vsel @p0 vm1, v17, v14  }
0x283: {  	(xrf1) =	vsort.dscd.msk.f32 @p0 $0xffff, v11, v14;
	_ =	sdelay $0x1  }
0x284: {  	v11 =	vshll.u32 v15, $0x2  }
0x285: {  	v14 =	vand.u32 $0x7F, v15;
	v11 =	vand.u32 $0xFFFFFE00, v11  }
0x286: {  	v11 =	vor.u32 v11, v14  }
0x287: {  	v11 =	vor.u32 $0x180, v11;
	_ =	sdelay $0x4  }
0x288: {  	v11 =	vld.idx.msk [tilespmem:v11+s17+$0x0], vm0;
	_ =	sdelay $0x2  }
0x289: {  	v14, v16, _ =	vpop @p1 (xrf1)  }
0x28a: {  	v14 =	vpsel p1, v14, v12;
	v17, v18, _ =	vpop @p0 (xrf1)  }
0x28b: {  	v16 =	vpsel p1, v16, v13;
	v11 =	vnsel vm0, $0x7F7FFFFF, v11;
	vm0 =	vle.f32 @p0 v14, v17  }
0x28c: {  	(xrf1) =	vsort.dscd.msk.f32 $0xffff, v11, v15;
	v11 =	vsel @p0 vm0, v17, v14;
	v15 =	vsel @p0 vm0, v18, v16  }
0x28d: {  	(xrf1) =	vsort.ascd.msk.f32 @p0 $0xffff, v11, v15;
	_ =	sdelay $0xc  }
0x28e: {  	v11, v15, _ =	vpop (xrf1)  }
0x28f: {  	v19, v20, _ =	vpop @p0 (xrf1)  }
0x290: {  	v14 =	vsel @p0 vm0, v14, v17;
	v61 =	vpsel p0, v19, v12  }
0x291: {  	v16 =	vsel @p0 vm0, v16, v18;
	v62 =	vpsel p0, v20, v13;
	vm14 =	vle.f32 v61, v11  }
0x292: {  	(xrf1) =	vsort.ascd.msk.f32 @p0 $0xffff, v14, v16;
	v11 =	vsel vm14, v61, v11;
	v14 =	vsel vm14, v62, v15  }
0x293: {  	(xrf1) =	vsort.dscd.msk.f32 $0xffff, v11, v14;
	_ =	sdelay $0xc  }
0x294: {  	v11, v14, _ =	vpop @p0 (xrf1)  }
0x295: {  	v11 =	vpsel p0, v11, v12;
	v15, v63, _ =	vpop (xrf1)  }
0x296: {  	v12 =	vpsel p0, v14, v13;
	vm15 =	vle.f32 v11, v15  }
0x297: {  	v13 =	vsel vm15, v15, v11;
	v14 =	vsel vm15, v63, v12  }
0x298: {  	v11 =	vsel vm15, v11, v15;
	v12 =	vsel vm15, v12, v63;
	(xrf1) =	vsort.ascd.msk.f32 $0xffff, v13, v14  }
0x299: {  	(xrf1) =	vsort.ascd.msk.f32 $0xffff, v11, v12;
	_ =	sdelay $0x9  }
.Ltmp34:
0x29a: {  	_ = 	snop;
	(pc) =	sbr.rel .LBB2_51-.Ltmp34, $3  }
0x29b: {  	_ =	sdelay $0x1  }
0x29c: {  	v11, v14, _ =	vpop (xrf1)  }
0x29d: {  	v12, v13, _ =	vpop (xrf1)  }
.LBB2_19:
.Ltmp35:
0x29e: {  	(pc) =	sbr.rel .LBB2_24-.Ltmp35, $2  }
0x29f: {  	_ =	sdelay $0x2  }
0x2a0: {  	_ = 	snop  }
.LBB2_28:
.Ltmp36:
0x2a1: {  	(pc) =	sbr.rel .LBB2_33-.Ltmp36, $2  }
0x2a2: {  	_ =	sdelay $0x2  }
0x2a3: {  	_ = 	snop  }
.LBB2_36:
.Ltmp37:
0x2a4: {  	(pc) =	sbr.rel .LBB2_41-.Ltmp37, $2  }
0x2a5: {  	_ =	sdelay $0x2  }
0x2a6: {  	_ = 	snop  }
.LBB2_45:
.Ltmp38:
0x2a7: {  	(pc) =	sbr.rel .LBB2_50-.Ltmp38, $2  }
0x2a8: {  	_ =	sdelay $0x2  }
0x2a9: {  	_ = 	snop  }
.LBB2_21:
.Ltmp39:
0x2aa: {  	(pc) =	sbr.rel .LBB2_24-.Ltmp39, $2  }
0x2ab: {  	_ =	sdelay $0x2  }
0x2ac: {  	_ = 	snop  }
.LBB2_30:
.Ltmp40:
0x2ad: {  	(pc) =	sbr.rel .LBB2_33-.Ltmp40, $2  }
0x2ae: {  	_ =	sdelay $0x2  }
0x2af: {  	_ = 	snop  }
.LBB2_38:
.Ltmp41:
0x2b0: {  	(pc) =	sbr.rel .LBB2_41-.Ltmp41, $2  }
0x2b1: {  	_ =	sdelay $0x2  }
0x2b2: {  	_ = 	snop  }
.LBB2_47:
.Ltmp42:
0x2b3: {  	(pc) =	sbr.rel .LBB2_50-.Ltmp42, $2  }
0x2b4: {  	_ =	sdelay $0x2  }
0x2b5: {  	_ = 	snop  }
.LBB2_54:
0x2b6: {  	_ =	sfence.sel $0x180000  }
0x2b7: {  	[bflag:$0x0] =	sbarrier.arrive $0xFFFF  }
0x2b8: {  	_ =	strace $0x90000047  }
0x2b9: {  	s0 =	stileid.u32;
	[bflag:$0x2] =	sbarrier.arrive $0xFFFF  }
0x2ba: {  	p0 =	sne.s32 s0, $0x0;
	s0 =	rddreg [dreg:$0x3]  }
0x2bb: {  	s0 =	sadd.s32 @!p0 $0x100000, s0  }
0x2bc: {  	[sflag:s0] =	ssyncadd.tile.s32 @!p0 $0x1;
	_ =	shalt  }
.Lfunc_end2:
_tile_overlayer_lowered:
.L_overlay_start_2:
0x2bd: {  	(tag) =	ssettag $0x2  }
0x2be: {  	s0 =	rddreg [dreg:$0x0];
	s2 =	stileid.u32  }
0x2bf: {  	s1 =	rddreg [dreg:$0x1];
	p0 =	sne.s32 s2, $0x0  }
0x2c0: {  	s3 =	rddreg [dreg:$0x2];
	[bflag:$0x3] =	sbarrier.arrive $0xFFFF;
	s2 =	simm.s32 @!p0 $0x1C01  }
0x2c1: {  	[timem:s3], [sflag:s2] =	dma.local @!p0 [hbm:s0], s1  }
0x2c2: {  	s0 =	simm.s32 @!p0 $0x1  }
0x2c3: {  	_ =	swait.ge @!p0 [sflag:s0], s1  }
0x2c4: {  	s1 =	ssub.s32 @!p0 $0x0, s1;
	[sflag:s0] =	ssyncset.done @!p0 $0x0  }
0x2c5: {  	[sflag:s0] =	ssyncadd.s32 @!p0 s1  }
0x2c6: {  	[bflag:$0x3] =	sbarrier.arrive $0xFFFF  }
0x2c7: {  	_ =	shalt  }

</sc_bundles>
